<compile_context>
chip_gen: v7x
topology: tpu7x:2x2x1
jax: 0.10.2.dev20260603
libtpu: 0.0.44.dev20260713+nightly
codegen_flags: <defaults>
</compile_context>

<pallas_src>
import functools

import jax
import jax.numpy as jnp
from jax import lax
from jax.experimental import pallas as pl
from jax.experimental.pallas import tpu as pltpu
from jax.experimental.pallas import tpu_sc as plsc

N = 10000
E = 320000
F = 128

NC = 2
NS = 16
NW = NC * NS
K = 128
NCHUNK = 80
NBUF = 2
NDQ = 4
EPW = NCHUNK * K
SINK = 10000
ACC_ROWS = 10112
ZROWS = ACC_ROWS // NS


def _sc_edge_agg(h, src3, dst3, zeros):
    mesh = plsc.VectorSubcoreMesh(core_axis_name="c", subcore_axis_name="s",
                                  num_cores=NC, num_subcores=NS)

    @functools.partial(
        pl.kernel,
        mesh=mesh,
        out_type=jax.ShapeDtypeStruct((NC, ACC_ROWS, F), jnp.float32),
        scratch_types=[
            pltpu.VMEM((NCHUNK, K), jnp.int32),
            pltpu.VMEM((8, K), jnp.int32),
            [pltpu.VMEM((K, F), jnp.float32) for _ in range(NBUF)],
            pltpu.VMEM_SHARED((ACC_ROWS, F), jnp.float32),
            [pltpu.SemaphoreType.DMA for _ in range(NBUF)],
            [pltpu.SemaphoreType.DMA for _ in range(NDQ)],
        ],
    )
    def agg(h_hbm, src_hbm, dst_hbm, zero_hbm, out_hbm, src_v, dring, rows,
            acc_sh, gsem, dsem):
        cid = lax.axis_index("c")
        sid = lax.axis_index("s")
        wid = sid * NC + cid

        pltpu.sync_copy(zero_hbm, acc_sh.at[pl.ds(sid * ZROWS, ZROWS)])
        pltpu.sync_copy(src_hbm.at[wid], src_v)
        plsc.subcore_barrier()

        def dst_start(j, q):
            pltpu.async_copy(dst_hbm.at[wid, j], dring.at[q], dsem[q])

        def dst_wait(q):
            pltpu.make_async_copy(dst_hbm.at[0, 0], dring.at[q],
                                  dsem[q]).wait()

        def gather_start(j, b):
            pltpu.async_copy(h_hbm.at[src_v.at[j]], rows[b], gsem[b])

        def gather_wait(b):
            pltpu.make_async_copy(h_hbm.at[src_v.at[0]], rows[b],
                                  gsem[b]).wait()

        def process(j, b, q):
            gather_wait(b)
            dst_wait(q)
            pltpu.sync_copy(rows[b], acc_sh.at[dring.at[q]], add=True)

            @pl.when(j + NDQ < NCHUNK)
            def _():
                dst_start(j + NDQ, q)

            @pl.when(j + NBUF < NCHUNK)
            def _():
                gather_start(j + NBUF, b)

        for q in range(NDQ):
            dst_start(q, q)
        for b in range(NBUF):
            gather_start(b, b)

        STEP = max(NBUF, NDQ)

        def body(ii, _):
            for r in range(STEP):
                j = ii * STEP + r
                process(j, r % NBUF, r % NDQ)
            return 0

        lax.fori_loop(0, NCHUNK // STEP, body, 0)
        plsc.subcore_barrier()

        pltpu.sync_copy(acc_sh.at[pl.ds(sid * ZROWS, ZROWS)],
                        out_hbm.at[cid, pl.ds(sid * ZROWS, ZROWS)])

    return agg(h, src3, dst3, zeros)


def _mm_body(x_ref, w_ref, o_ref):
    o_ref[...] = jnp.dot(x_ref[...], w_ref[...],
                         preferred_element_type=jnp.float32)


def _matmul(x, w):
    bm = 1000
    return pl.pallas_call(
        _mm_body,
        grid=(N // bm,),
        in_specs=[
            pl.BlockSpec((bm, F), lambda i: (i, 0)),
            pl.BlockSpec((F, F), lambda i: (0, 0)),
        ],
        out_specs=pl.BlockSpec((bm, F), lambda i: (i, 0)),
        out_shape=jax.ShapeDtypeStruct((N, F), jnp.float32),
    )(x, w)


def _mid_body(p_ref, h_ref, b1_ref, wh1_ref, bh1_ref, w2_ref, o_ref):
    r = jax.nn.relu(p_ref[0] + p_ref[1] + h_ref[...] + b1_ref[...])
    t = jnp.dot(r, wh1_ref[...], preferred_element_type=jnp.float32)
    t = t + bh1_ref[...]
    o_ref[...] = jnp.dot(t, w2_ref[...], preferred_element_type=jnp.float32)


def _mid(p, h1, b1, wh1, bh1, w2):
    bm = 1000
    return pl.pallas_call(
        _mid_body,
        grid=(N // bm,),
        in_specs=[
            pl.BlockSpec((NC, bm, F), lambda i: (0, i, 0)),
            pl.BlockSpec((bm, F), lambda i: (i, 0)),
            pl.BlockSpec((1, F), lambda i: (0, 0)),
            pl.BlockSpec((F, F), lambda i: (0, 0)),
            pl.BlockSpec((1, F), lambda i: (0, 0)),
            pl.BlockSpec((F, F), lambda i: (0, 0)),
        ],
        out_specs=pl.BlockSpec((bm, F), lambda i: (i, 0)),
        out_shape=jax.ShapeDtypeStruct((N, F), jnp.float32),
    )(p, h1, b1.reshape(1, F), wh1, bh1.reshape(1, F), w2)


def _final_body(q_ref, h2_ref, b2_ref, wh2_ref, bh2_ref, o_ref):
    a = q_ref[0] + q_ref[1] + h2_ref[...] + b2_ref[...]
    o = jnp.dot(a, wh2_ref[...], preferred_element_type=jnp.float32)
    o = o + bh2_ref[...]
    m = jnp.max(o, axis=1, keepdims=True)
    e = o - m
    lse = jnp.log(jnp.sum(jnp.exp(e), axis=1, keepdims=True))
    o_ref[...] = e - lse


def _final(q, h2, b2, wh2, bh2):
    bm = 1000
    return pl.pallas_call(
        _final_body,
        grid=(N // bm,),
        in_specs=[
            pl.BlockSpec((NC, bm, F), lambda i: (0, i, 0)),
            pl.BlockSpec((bm, F), lambda i: (i, 0)),
            pl.BlockSpec((1, F), lambda i: (0, 0)),
            pl.BlockSpec((F, F), lambda i: (0, 0)),
            pl.BlockSpec((1, F), lambda i: (0, 0)),
        ],
        out_specs=pl.BlockSpec((bm, F), lambda i: (i, 0)),
        out_shape=jax.ShapeDtypeStruct((N, F), jnp.float32),
    )(q, h2, b2.reshape(1, F), wh2, bh2.reshape(1, F))


def kernel(x, edge_index, edge_weight, W1, b1, Wh1, bh1, W2, b2, Wh2, bh2):
    del edge_weight
    ppw = EPW - E // NW
    pad_src = (jnp.arange(NW, dtype=jnp.int32)[:, None] * 293
               + jnp.arange(ppw, dtype=jnp.int32)[None, :] * 37) % N
    src_p = jnp.concatenate(
        [edge_index[0].reshape(NW, E // NW), pad_src], axis=1)
    pad_dst = (SINK
               + (jnp.arange(NW, dtype=jnp.int32)[:, None] // NC) * 7
               + jnp.arange(ppw, dtype=jnp.int32)[None, :] % 7)
    dst_p = jnp.concatenate(
        [edge_index[1].reshape(NW, E // NW), pad_dst], axis=1)
    src3 = src_p.reshape(NW, NCHUNK, K)
    dst3 = dst_p.reshape(NW, NCHUNK, K)
    zeros = jnp.zeros((ZROWS, F), jnp.float32)

    h1 = _matmul(x, W1)
    p = _sc_edge_agg(h1, src3, dst3, zeros)
    h2 = _mid(p, h1, b1, Wh1, bh1, W2)
    q = _sc_edge_agg(h2, src3, dst3, zeros)
    return _final(q, h2, b2, Wh2, bh2)

# --- scband reference (transcript-rebuilt; emitter-appended) ---
"""Pipeline reference for scband-gin-7773890805970 (READ-ONLY COPY).

The authoritative reference and input builder live on the scoring server;
editing this copy changes nothing except your own understanding.
"""

import jax, jax.numpy as jnp
import numpy as np

N = 10000
E = 320000
F = 128
H = 128
C = 128


def _gcn_conv(x, src, dst, W, b):
    # PyG GCNConv with normalize=False, add_self_loops=True, bias=True,
    # called without edge_weight (so all edge weights are 1.0).
    h = x @ W
    agg = jnp.zeros_like(h).at[dst].add(h[src])
    agg = agg + h  # self loops with weight 1
    return agg + b


def setup_inputs(seed: int = 0) -> dict:
    key = jax.random.key(seed)
    ks = jax.random.split(key, 12)
    x = jax.random.normal(ks[0], (N, F), dtype=jnp.float32)
    edge_index = jax.random.randint(ks[1], (2, E), 0, N, dtype=jnp.int32)
    edge_weight = jax.random.uniform(ks[2], (E,), dtype=jnp.float32)
    s = 0.05
    W1 = jax.random.normal(ks[3], (F, H), dtype=jnp.float32) * s
    b1 = jnp.zeros((H,), dtype=jnp.float32)
    Wh1 = jax.random.normal(ks[4], (H, H), dtype=jnp.float32) * s
    bh1 = jnp.zeros((H,), dtype=jnp.float32)
    W2 = jax.random.normal(ks[5], (H, H), dtype=jnp.float32) * s
    b2 = jnp.zeros((H,), dtype=jnp.float32)
    Wh2 = jax.random.normal(ks[6], (H, C), dtype=jnp.float32) * s
    bh2 = jnp.zeros((C,), dtype=jnp.float32)
    return {"x": x, "edge_index": edge_index, "edge_weight": edge_weight,
            "W1": W1, "b1": b1, "Wh1": Wh1, "bh1": bh1,
            "W2": W2, "b2": b2, "Wh2": Wh2, "bh2": bh2}


def reference(x, edge_index, edge_weight, W1, b1, Wh1, bh1, W2, b2, Wh2, bh2):
    # Note: the torch forward receives edge_weight but never passes it to the
    # convs, so it is unused (kept here for signature fidelity).
    src = edge_index[0]
    dst = edge_index[1]
    h = jax.nn.relu(_gcn_conv(x, src, dst, W1, b1))
    h = h @ Wh1 + bh1
    # dropout with training=False is identity (inference reference)
    h = _gcn_conv(h, src, dst, W2, b2)
    h = h @ Wh2 + bh2
    return jax.nn.log_softmax(h, axis=1)

if __name__ == "__main__":
    import jax
    _d = setup_inputs()
    print(jax.jit(kernel)(*tuple(_d.values())))

</pallas_src>

<mosaic_0001>
#map = affine_map<(d0, d1) -> (0, 0)>
#map1 = affine_map<(d0, d1) -> (0, 0, 0)>
module attributes {stable_mosaic.version = 14 : i64} {
  func.func @agg(%arg0: i32, %arg1: i32, %arg2: memref<10000x128xf32, #tpu.memory_space<hbm>>, %arg3: memref<32x80x128xi32, #tpu.memory_space<hbm>>, %arg4: memref<32x80x128xi32, #tpu.memory_space<hbm>>, %arg5: memref<632x128xf32, #tpu.memory_space<hbm>>, %arg6: memref<2x10112x128xf32, #tpu.memory_space<hbm>>, %arg7: memref<80x128xi32, #tpu.memory_space<vmem>>, %arg8: memref<8x128xi32, #tpu.memory_space<vmem>>, %arg9: memref<128x128xf32, #tpu.memory_space<vmem>>, %arg10: memref<128x128xf32, #tpu.memory_space<vmem>>, %arg11: memref<10112x128xf32, #tpu.memory_space<vmem_shared>>, %arg12: memref<!tpu.dma_semaphore, #tpu.memory_space<semaphore_mem>>, %arg13: memref<!tpu.dma_semaphore, #tpu.memory_space<semaphore_mem>>, %arg14: memref<!tpu.dma_semaphore, #tpu.memory_space<semaphore_mem>>, %arg15: memref<!tpu.dma_semaphore, #tpu.memory_space<semaphore_mem>>, %arg16: memref<!tpu.dma_semaphore, #tpu.memory_space<semaphore_mem>>, %arg17: memref<!tpu.dma_semaphore, #tpu.memory_space<semaphore_mem>>) attributes {dimension_semantics = [#tpu.dimension_semantics<core_parallel>, #tpu.dimension_semantics<subcore_parallel>], iteration_bounds = array<i64: 2, 16>, scalar_prefetch = 0 : i64, scratch_operands = 11 : i64, tpu.core_type = #tpu.core_type<sc_vector_subcore>, window_params = [{transform_indices = #map}, {transform_indices = #map1}, {transform_indices = #map1}, {transform_indices = #map}, {transform_indices = #map1}]} {
    %mul3A = arith.constant 2 : i32
    %mul3A_0 = arith.muli %arg1, %mul3A : i32
    %add3A = arith.addi %mul3A_0, %arg0 : i32
    %mul3A_1 = arith.constant 632 : i32
    %mul3A_2 = arith.muli %arg1, %mul3A_1 : i32
    "tpu.region"() ({
      %run_scoped3A = tpu.sem_alloc : memref<!tpu.dma_semaphore, #tpu.memory_space<semaphore_mem>>
      %dma_start3A_83 = arith.constant 0 : i32
      %dma_start3A_84 = tpu.memref_slice %arg11[%mul3A_2, %dma_start3A_83] : memref<10112x128xf32, #tpu.memory_space<vmem_shared>> -> memref<632x128xf32, #tpu.memory_space<vmem_shared>>
      tpu.enqueue_dma source(%arg5 : memref<632x128xf32, #tpu.memory_space<hbm>>) target(%dma_start3A_84 : memref<632x128xf32, #tpu.memory_space<vmem_shared>>) target_semaphore(%run_scoped3A : memref<!tpu.dma_semaphore, #tpu.memory_space<semaphore_mem>>)
      %dma_wait3A = arith.constant 0 : i32
      %dma_wait3A_85 = tpu.memref_slice %arg11[%mul3A_2, %dma_wait3A] : memref<10112x128xf32, #tpu.memory_space<vmem_shared>> -> memref<632x128xf32, #tpu.memory_space<vmem_shared>>
      tpu.wait_dma2 semaphore(%run_scoped3A : memref<!tpu.dma_semaphore, #tpu.memory_space<semaphore_mem>>) src(%arg5 : memref<632x128xf32, #tpu.memory_space<hbm>>) dst(%dma_wait3A_85 : memref<632x128xf32, #tpu.memory_space<vmem_shared>>)
      tpu.yield
    }) : () -> ()
    "tpu.region"() ({
      %run_scoped3A = tpu.sem_alloc : memref<!tpu.dma_semaphore, #tpu.memory_space<semaphore_mem>>
      %dma_start3A_83 = arith.constant 0 : i32
      %dma_start3A_84 = arith.constant 0 : i32
      %dma_start3A_85 = tpu.memref_slice %arg3[%add3A, %dma_start3A_83, %dma_start3A_84] : memref<32x80x128xi32, #tpu.memory_space<hbm>> -> memref<1x80x128xi32, #tpu.memory_space<hbm>>
      %dma_start3A_86 = tpu.memref_squeeze %dma_start3A_85 : memref<1x80x128xi32, #tpu.memory_space<hbm>> -> memref<80x128xi32, #tpu.memory_space<hbm>>
      %dma_start3A_87 = arith.constant 0 : i32
      %dma_start3A_88 = arith.constant 0 : i32
      %dma_start3A_89 = tpu.memref_slice %arg3[%add3A, %dma_start3A_87, %dma_start3A_88] : memref<32x80x128xi32, #tpu.memory_space<hbm>> -> memref<1x80x128xi32, #tpu.memory_space<hbm>>
      %dma_start3A_90 = tpu.memref_squeeze %dma_start3A_89 : memref<1x80x128xi32, #tpu.memory_space<hbm>> -> memref<80x128xi32, #tpu.memory_space<hbm>>
      tpu.enqueue_dma source(%dma_start3A_90 : memref<80x128xi32, #tpu.memory_space<hbm>>) target(%arg7 : memref<80x128xi32, #tpu.memory_space<vmem>>) target_semaphore(%run_scoped3A : memref<!tpu.dma_semaphore, #tpu.memory_space<semaphore_mem>>)
      %dma_wait3A = arith.constant 0 : i32
      %dma_wait3A_91 = arith.constant 0 : i32
      %dma_wait3A_92 = tpu.memref_slice %arg3[%add3A, %dma_wait3A, %dma_wait3A_91] : memref<32x80x128xi32, #tpu.memory_space<hbm>> -> memref<1x80x128xi32, #tpu.memory_space<hbm>>
      %dma_wait3A_93 = tpu.memref_squeeze %dma_wait3A_92 : memref<1x80x128xi32, #tpu.memory_space<hbm>> -> memref<80x128xi32, #tpu.memory_space<hbm>>
      %dma_wait3A_94 = arith.constant 0 : i32
      %dma_wait3A_95 = arith.constant 0 : i32
      %dma_wait3A_96 = tpu.memref_slice %arg3[%add3A, %dma_wait3A_94, %dma_wait3A_95] : memref<32x80x128xi32, #tpu.memory_space<hbm>> -> memref<1x80x128xi32, #tpu.memory_space<hbm>>
      %dma_wait3A_97 = tpu.memref_squeeze %dma_wait3A_96 : memref<1x80x128xi32, #tpu.memory_space<hbm>> -> memref<80x128xi32, #tpu.memory_space<hbm>>
      tpu.wait_dma2 semaphore(%run_scoped3A : memref<!tpu.dma_semaphore, #tpu.memory_space<semaphore_mem>>) src(%dma_wait3A_97 : memref<80x128xi32, #tpu.memory_space<hbm>>) dst(%arg7 : memref<80x128xi32, #tpu.memory_space<vmem>>)
      tpu.yield
    }) : () -> ()
    %barrier3A = arith.constant 0 : index
    tpu.barrier barrier_id(%barrier3A)
    %dma_start3A = arith.constant 0 : i32
    %dma_start3A_3 = arith.constant 0 : i32
    %dma_start3A_4 = arith.constant 0 : i32
    %dma_start3A_5 = tpu.memref_slice %arg8[%dma_start3A_3, %dma_start3A_4] : memref<8x128xi32, #tpu.memory_space<vmem>> -> memref<1x128xi32, #tpu.memory_space<vmem>>
    %dma_start3A_6 = tpu.memref_squeeze %dma_start3A_5 : memref<1x128xi32, #tpu.memory_space<vmem>> -> memref<128xi32, #tpu.memory_space<vmem>>
    %dma_start3A_7 = arith.constant 0 : i32
    %dma_start3A_8 = tpu.memref_slice %arg4[%add3A, %dma_start3A, %dma_start3A_7] : memref<32x80x128xi32, #tpu.memory_space<hbm>> -> memref<1x1x128xi32, #tpu.memory_space<hbm>>
    %dma_start3A_9 = tpu.memref_squeeze %dma_start3A_8 : memref<1x1x128xi32, #tpu.memory_space<hbm>> -> memref<128xi32, #tpu.memory_space<hbm>>
    %dma_start3A_10 = arith.constant 0 : i32
    %dma_start3A_11 = tpu.memref_slice %arg8[%dma_start3A_3, %dma_start3A_10] : memref<8x128xi32, #tpu.memory_space<vmem>> -> memref<1x128xi32, #tpu.memory_space<vmem>>
    %dma_start3A_12 = tpu.memref_squeeze %dma_start3A_11 : memref<1x128xi32, #tpu.memory_space<vmem>> -> memref<128xi32, #tpu.memory_space<vmem>>
    %dma_start3A_13 = arith.constant 0 : i32
    %dma_start3A_14 = tpu.memref_slice %arg4[%add3A, %dma_start3A, %dma_start3A_13] : memref<32x80x128xi32, #tpu.memory_space<hbm>> -> memref<1x1x128xi32, #tpu.memory_space<hbm>>
    %dma_start3A_15 = tpu.memref_squeeze %dma_start3A_14 : memref<1x1x128xi32, #tpu.memory_space<hbm>> -> memref<128xi32, #tpu.memory_space<hbm>>
    tpu.enqueue_dma source(%dma_start3A_15 : memref<128xi32, #tpu.memory_space<hbm>>) target(%dma_start3A_12 : memref<128xi32, #tpu.memory_space<vmem>>) target_semaphore(%arg14 : memref<!tpu.dma_semaphore, #tpu.memory_space<semaphore_mem>>)
    %dma_start3A_16 = arith.constant 1 : i32
    %dma_start3A_17 = arith.constant 1 : i32
    %dma_start3A_18 = arith.constant 0 : i32
    %dma_start3A_19 = tpu.memref_slice %arg8[%dma_start3A_17, %dma_start3A_18] : memref<8x128xi32, #tpu.memory_space<vmem>> -> memref<1x128xi32, #tpu.memory_space<vmem>>
    %dma_start3A_20 = tpu.memref_squeeze %dma_start3A_19 : memref<1x128xi32, #tpu.memory_space<vmem>> -> memref<128xi32, #tpu.memory_space<vmem>>
    %dma_start3A_21 = arith.constant 0 : i32
    %dma_start3A_22 = tpu.memref_slice %arg4[%add3A, %dma_start3A_16, %dma_start3A_21] : memref<32x80x128xi32, #tpu.memory_space<hbm>> -> memref<1x1x128xi32, #tpu.memory_space<hbm>>
    %dma_start3A_23 = tpu.memref_squeeze %dma_start3A_22 : memref<1x1x128xi32, #tpu.memory_space<hbm>> -> memref<128xi32, #tpu.memory_space<hbm>>
    %dma_start3A_24 = arith.constant 0 : i32
    %dma_start3A_25 = tpu.memref_slice %arg8[%dma_start3A_17, %dma_start3A_24] : memref<8x128xi32, #tpu.memory_space<vmem>> -> memref<1x128xi32, #tpu.memory_space<vmem>>
    %dma_start3A_26 = tpu.memref_squeeze %dma_start3A_25 : memref<1x128xi32, #tpu.memory_space<vmem>> -> memref<128xi32, #tpu.memory_space<vmem>>
    %dma_start3A_27 = arith.constant 0 : i32
    %dma_start3A_28 = tpu.memref_slice %arg4[%add3A, %dma_start3A_16, %dma_start3A_27] : memref<32x80x128xi32, #tpu.memory_space<hbm>> -> memref<1x1x128xi32, #tpu.memory_space<hbm>>
    %dma_start3A_29 = tpu.memref_squeeze %dma_start3A_28 : memref<1x1x128xi32, #tpu.memory_space<hbm>> -> memref<128xi32, #tpu.memory_space<hbm>>
    tpu.enqueue_dma source(%dma_start3A_29 : memref<128xi32, #tpu.memory_space<hbm>>) target(%dma_start3A_26 : memref<128xi32, #tpu.memory_space<vmem>>) target_semaphore(%arg15 : memref<!tpu.dma_semaphore, #tpu.memory_space<semaphore_mem>>)
    %dma_start3A_30 = arith.constant 2 : i32
    %dma_start3A_31 = arith.constant 2 : i32
    %dma_start3A_32 = arith.constant 0 : i32
    %dma_start3A_33 = tpu.memref_slice %arg8[%dma_start3A_31, %dma_start3A_32] : memref<8x128xi32, #tpu.memory_space<vmem>> -> memref<1x128xi32, #tpu.memory_space<vmem>>
    %dma_start3A_34 = tpu.memref_squeeze %dma_start3A_33 : memref<1x128xi32, #tpu.memory_space<vmem>> -> memref<128xi32, #tpu.memory_space<vmem>>
    %dma_start3A_35 = arith.constant 0 : i32
    %dma_start3A_36 = tpu.memref_slice %arg4[%add3A, %dma_start3A_30, %dma_start3A_35] : memref<32x80x128xi32, #tpu.memory_space<hbm>> -> memref<1x1x128xi32, #tpu.memory_space<hbm>>
    %dma_start3A_37 = tpu.memref_squeeze %dma_start3A_36 : memref<1x1x128xi32, #tpu.memory_space<hbm>> -> memref<128xi32, #tpu.memory_space<hbm>>
    %dma_start3A_38 = arith.constant 0 : i32
    %dma_start3A_39 = tpu.memref_slice %arg8[%dma_start3A_31, %dma_start3A_38] : memref<8x128xi32, #tpu.memory_space<vmem>> -> memref<1x128xi32, #tpu.memory_space<vmem>>
    %dma_start3A_40 = tpu.memref_squeeze %dma_start3A_39 : memref<1x128xi32, #tpu.memory_space<vmem>> -> memref<128xi32, #tpu.memory_space<vmem>>
    %dma_start3A_41 = arith.constant 0 : i32
    %dma_start3A_42 = tpu.memref_slice %arg4[%add3A, %dma_start3A_30, %dma_start3A_41] : memref<32x80x128xi32, #tpu.memory_space<hbm>> -> memref<1x1x128xi32, #tpu.memory_space<hbm>>
    %dma_start3A_43 = tpu.memref_squeeze %dma_start3A_42 : memref<1x1x128xi32, #tpu.memory_space<hbm>> -> memref<128xi32, #tpu.memory_space<hbm>>
    tpu.enqueue_dma source(%dma_start3A_43 : memref<128xi32, #tpu.memory_space<hbm>>) target(%dma_start3A_40 : memref<128xi32, #tpu.memory_space<vmem>>) target_semaphore(%arg16 : memref<!tpu.dma_semaphore, #tpu.memory_space<semaphore_mem>>)
    %dma_start3A_44 = arith.constant 3 : i32
    %dma_start3A_45 = arith.constant 3 : i32
    %dma_start3A_46 = arith.constant 0 : i32
    %dma_start3A_47 = tpu.memref_slice %arg8[%dma_start3A_45, %dma_start3A_46] : memref<8x128xi32, #tpu.memory_space<vmem>> -> memref<1x128xi32, #tpu.memory_space<vmem>>
    %dma_start3A_48 = tpu.memref_squeeze %dma_start3A_47 : memref<1x128xi32, #tpu.memory_space<vmem>> -> memref<128xi32, #tpu.memory_space<vmem>>
    %dma_start3A_49 = arith.constant 0 : i32
    %dma_start3A_50 = tpu.memref_slice %arg4[%add3A, %dma_start3A_44, %dma_start3A_49] : memref<32x80x128xi32, #tpu.memory_space<hbm>> -> memref<1x1x128xi32, #tpu.memory_space<hbm>>
    %dma_start3A_51 = tpu.memref_squeeze %dma_start3A_50 : memref<1x1x128xi32, #tpu.memory_space<hbm>> -> memref<128xi32, #tpu.memory_space<hbm>>
    %dma_start3A_52 = arith.constant 0 : i32
    %dma_start3A_53 = tpu.memref_slice %arg8[%dma_start3A_45, %dma_start3A_52] : memref<8x128xi32, #tpu.memory_space<vmem>> -> memref<1x128xi32, #tpu.memory_space<vmem>>
    %dma_start3A_54 = tpu.memref_squeeze %dma_start3A_53 : memref<1x128xi32, #tpu.memory_space<vmem>> -> memref<128xi32, #tpu.memory_space<vmem>>
    %dma_start3A_55 = arith.constant 0 : i32
    %dma_start3A_56 = tpu.memref_slice %arg4[%add3A, %dma_start3A_44, %dma_start3A_55] : memref<32x80x128xi32, #tpu.memory_space<hbm>> -> memref<1x1x128xi32, #tpu.memory_space<hbm>>
    %dma_start3A_57 = tpu.memref_squeeze %dma_start3A_56 : memref<1x1x128xi32, #tpu.memory_space<hbm>> -> memref<128xi32, #tpu.memory_space<hbm>>
    tpu.enqueue_dma source(%dma_start3A_57 : memref<128xi32, #tpu.memory_space<hbm>>) target(%dma_start3A_54 : memref<128xi32, #tpu.memory_space<vmem>>) target_semaphore(%arg17 : memref<!tpu.dma_semaphore, #tpu.memory_space<semaphore_mem>>)
    %dma_start3A_58 = arith.constant 0 : i32
    %dma_start3A_59 = arith.constant 0 : i32
    %dma_start3A_60 = tpu.memref_slice %arg7[%dma_start3A_58, %dma_start3A_59] : memref<80x128xi32, #tpu.memory_space<vmem>> -> memref<1x128xi32, #tpu.memory_space<vmem>>
    %dma_start3A_61 = tpu.memref_squeeze %dma_start3A_60 : memref<1x128xi32, #tpu.memory_space<vmem>> -> memref<128xi32, #tpu.memory_space<vmem>>
    %dma_start3A_62 = arith.constant 0 : i32
    %dma_start3A_63 = arith.constant 0 : i32
    %dma_start3A_64 = tpu.memref_slice %arg2[%dma_start3A_62, %dma_start3A_63] : memref<10000x128xf32, #tpu.memory_space<hbm>> -> memref<10000x128xf32, #tpu.memory_space<hbm>>
    tpu.enqueue_indirect_dma source(%dma_start3A_64 : memref<10000x128xf32, #tpu.memory_space<hbm>>) target(%arg9 : memref<128x128xf32, #tpu.memory_space<vmem>>) offsets(%dma_start3A_61 : memref<128xi32, #tpu.memory_space<vmem>>) semaphore(%arg12 : memref<!tpu.dma_semaphore, #tpu.memory_space<semaphore_mem>>)
    %dma_start3A_65 = arith.constant 1 : i32
    %dma_start3A_66 = arith.constant 0 : i32
    %dma_start3A_67 = tpu.memref_slice %arg7[%dma_start3A_65, %dma_start3A_66] : memref<80x128xi32, #tpu.memory_space<vmem>> -> memref<1x128xi32, #tpu.memory_space<vmem>>
    %dma_start3A_68 = tpu.memref_squeeze %dma_start3A_67 : memref<1x128xi32, #tpu.memory_space<vmem>> -> memref<128xi32, #tpu.memory_space<vmem>>
    %dma_start3A_69 = arith.constant 0 : i32
    %dma_start3A_70 = arith.constant 0 : i32
    %dma_start3A_71 = tpu.memref_slice %arg2[%dma_start3A_69, %dma_start3A_70] : memref<10000x128xf32, #tpu.memory_space<hbm>> -> memref<10000x128xf32, #tpu.memory_space<hbm>>
    tpu.enqueue_indirect_dma source(%dma_start3A_71 : memref<10000x128xf32, #tpu.memory_space<hbm>>) target(%arg10 : memref<128x128xf32, #tpu.memory_space<vmem>>) offsets(%dma_start3A_68 : memref<128xi32, #tpu.memory_space<vmem>>) semaphore(%arg13 : memref<!tpu.dma_semaphore, #tpu.memory_space<semaphore_mem>>)
    %scan3A = arith.constant 0 : i32
    %scan3A_72 = arith.constant 0 : i32
    %scan3A_73 = arith.constant 20 : i32
    %scan3A_74 = arith.addi %scan3A_72, %scan3A_73 : i32
    %scan3A_75 = arith.constant 1 : i32
    %scan3A_76 = scf.for %scan3A_83 = %scan3A_72 to %scan3A_74 step %scan3A_75 iter_args(%scan3A_84 = %scan3A) -> (i32)  : i32 {
      %mul3A_85 = arith.constant 4 : i32
      %mul3A_86 = arith.muli %scan3A_83, %mul3A_85 : i32
      %add3A_87 = arith.constant 0 : i32
      %add3A_88 = arith.addi %mul3A_86, %add3A_87 : i32
      %dma_wait3A = arith.constant 0 : i32
      %dma_wait3A_89 = arith.constant 0 : i32
      %dma_wait3A_90 = tpu.memref_slice %arg7[%dma_wait3A, %dma_wait3A_89] : memref<80x128xi32, #tpu.memory_space<vmem>> -> memref<1x128xi32, #tpu.memory_space<vmem>>
      %dma_wait3A_91 = tpu.memref_squeeze %dma_wait3A_90 : memref<1x128xi32, #tpu.memory_space<vmem>> -> memref<128xi32, #tpu.memory_space<vmem>>
      %dma_wait3A_92 = arith.constant 0 : i32
      %dma_wait3A_93 = arith.constant 0 : i32
      %dma_wait3A_94 = tpu.memref_slice %arg2[%dma_wait3A_92, %dma_wait3A_93] : memref<10000x128xf32, #tpu.memory_space<hbm>> -> memref<10000x128xf32, #tpu.memory_space<hbm>>
      tpu.wait_indirect_dma semaphore(%arg12 : memref<!tpu.dma_semaphore, #tpu.memory_space<semaphore_mem>>) src(%dma_wait3A_94 : memref<10000x128xf32, #tpu.memory_space<hbm>>) dst(%arg9 : memref<128x128xf32, #tpu.memory_space<vmem>>)
      %dma_wait3A_95 = arith.constant 0 : i32
      %dma_wait3A_96 = arith.constant 0 : i32
      %dma_wait3A_97 = arith.constant 0 : i32
      %dma_wait3A_98 = arith.constant 0 : i32
      %dma_wait3A_99 = tpu.memref_slice %arg8[%dma_wait3A_97, %dma_wait3A_98] : memref<8x128xi32, #tpu.memory_space<vmem>> -> memref<1x128xi32, #tpu.memory_space<vmem>>
      %dma_wait3A_100 = tpu.memref_squeeze %dma_wait3A_99 : memref<1x128xi32, #tpu.memory_space<vmem>> -> memref<128xi32, #tpu.memory_space<vmem>>
      %dma_wait3A_101 = arith.constant 0 : i32
      %dma_wait3A_102 = tpu.memref_slice %arg4[%dma_wait3A_95, %dma_wait3A_96, %dma_wait3A_101] : memref<32x80x128xi32, #tpu.memory_space<hbm>> -> memref<1x1x128xi32, #tpu.memory_space<hbm>>
      %dma_wait3A_103 = tpu.memref_squeeze %dma_wait3A_102 : memref<1x1x128xi32, #tpu.memory_space<hbm>> -> memref<128xi32, #tpu.memory_space<hbm>>
      %dma_wait3A_104 = arith.constant 0 : i32
      %dma_wait3A_105 = tpu.memref_slice %arg8[%dma_wait3A_97, %dma_wait3A_104] : memref<8x128xi32, #tpu.memory_space<vmem>> -> memref<1x128xi32, #tpu.memory_space<vmem>>
      %dma_wait3A_106 = tpu.memref_squeeze %dma_wait3A_105 : memref<1x128xi32, #tpu.memory_space<vmem>> -> memref<128xi32, #tpu.memory_space<vmem>>
      %dma_wait3A_107 = arith.constant 0 : i32
      %dma_wait3A_108 = tpu.memref_slice %arg4[%dma_wait3A_95, %dma_wait3A_96, %dma_wait3A_107] : memref<32x80x128xi32, #tpu.memory_space<hbm>> -> memref<1x1x128xi32, #tpu.memory_space<hbm>>
      %dma_wait3A_109 = tpu.memref_squeeze %dma_wait3A_108 : memref<1x1x128xi32, #tpu.memory_space<hbm>> -> memref<128xi32, #tpu.memory_space<hbm>>
      tpu.wait_dma2 semaphore(%arg14 : memref<!tpu.dma_semaphore, #tpu.memory_space<semaphore_mem>>) src(%dma_wait3A_109 : memref<128xi32, #tpu.memory_space<hbm>>) dst(%dma_wait3A_106 : memref<128xi32, #tpu.memory_space<vmem>>)
      %run_scoped3A = arith.constant 0 : i32
      "tpu.region"() ({
        %run_scoped3A_245 = tpu.sem_alloc : memref<!tpu.dma_semaphore, #tpu.memory_space<semaphore_mem>>
        %dma_start3A_246 = arith.constant 0 : i32
        %dma_start3A_247 = tpu.memref_slice %arg8[%run_scoped3A, %dma_start3A_246] : memref<8x128xi32, #tpu.memory_space<vmem>> -> memref<1x128xi32, #tpu.memory_space<vmem>>
        %dma_start3A_248 = tpu.memref_squeeze %dma_start3A_247 : memref<1x128xi32, #tpu.memory_space<vmem>> -> memref<128xi32, #tpu.memory_space<vmem>>
        %dma_start3A_249 = arith.constant 0 : i32
        %dma_start3A_250 = arith.constant 0 : i32
        %dma_start3A_251 = tpu.memref_slice %arg11[%dma_start3A_249, %dma_start3A_250] : memref<10112x128xf32, #tpu.memory_space<vmem_shared>> -> memref<10112x128xf32, #tpu.memory_space<vmem_shared>>
        tpu.enqueue_indirect_dma source(%arg9 : memref<128x128xf32, #tpu.memory_space<vmem>>) target(%dma_start3A_251 : memref<10112x128xf32, #tpu.memory_space<vmem_shared>>) offsets(%dma_start3A_248 : memref<128xi32, #tpu.memory_space<vmem>>) semaphore(%run_scoped3A_245 : memref<!tpu.dma_semaphore, #tpu.memory_space<semaphore_mem>>) {add = true}
        %dma_wait3A_252 = arith.constant 0 : i32
        %dma_wait3A_253 = tpu.memref_slice %arg8[%run_scoped3A, %dma_wait3A_252] : memref<8x128xi32, #tpu.memory_space<vmem>> -> memref<1x128xi32, #tpu.memory_space<vmem>>
        %dma_wait3A_254 = tpu.memref_squeeze %dma_wait3A_253 : memref<1x128xi32, #tpu.memory_space<vmem>> -> memref<128xi32, #tpu.memory_space<vmem>>
        %dma_wait3A_255 = arith.constant 0 : i32
        %dma_wait3A_256 = arith.constant 0 : i32
        %dma_wait3A_257 = tpu.memref_slice %arg11[%dma_wait3A_255, %dma_wait3A_256] : memref<10112x128xf32, #tpu.memory_space<vmem_shared>> -> memref<10112x128xf32, #tpu.memory_space<vmem_shared>>
        tpu.wait_indirect_dma semaphore(%run_scoped3A_245 : memref<!tpu.dma_semaphore, #tpu.memory_space<semaphore_mem>>) src(%arg9 : memref<128x128xf32, #tpu.memory_space<vmem>>) dst(%dma_wait3A_257 : memref<10112x128xf32, #tpu.memory_space<vmem_shared>>)
        tpu.yield
      }) : () -> ()
      %add3A_110 = arith.constant 4 : i32
      %add3A_111 = arith.addi %add3A_88, %add3A_110 : i32
      %lt3A = arith.constant 80 : i32
      %lt3A_112 = arith.cmpi slt, %add3A_111, %lt3A : i32
      %convert_element_type3A = arith.extui %lt3A_112 : i1 to i32
      %cond3A = arith.constant 0 : i32
      %cond3A_113 = arith.cmpi ne, %convert_element_type3A, %cond3A : i32
      scf.if %cond3A_113 {
        %add3A_245 = arith.constant 4 : i32
        %add3A_246 = arith.addi %add3A_88, %add3A_245 : i32
        %dma_start3A_247 = arith.constant 0 : i32
        %dma_start3A_248 = arith.constant 0 : i32
        %dma_start3A_249 = tpu.memref_slice %arg8[%dma_start3A_247, %dma_start3A_248] : memref<8x128xi32, #tpu.memory_space<vmem>> -> memref<1x128xi32, #tpu.memory_space<vmem>>
        %dma_start3A_250 = tpu.memref_squeeze %dma_start3A_249 : memref<1x128xi32, #tpu.memory_space<vmem>> -> memref<128xi32, #tpu.memory_space<vmem>>
        %dma_start3A_251 = arith.constant 0 : i32
        %dma_start3A_252 = tpu.memref_slice %arg4[%add3A, %add3A_246, %dma_start3A_251] : memref<32x80x128xi32, #tpu.memory_space<hbm>> -> memref<1x1x128xi32, #tpu.memory_space<hbm>>
        %dma_start3A_253 = tpu.memref_squeeze %dma_start3A_252 : memref<1x1x128xi32, #tpu.memory_space<hbm>> -> memref<128xi32, #tpu.memory_space<hbm>>
        %dma_start3A_254 = arith.constant 0 : i32
        %dma_start3A_255 = tpu.memref_slice %arg8[%dma_start3A_247, %dma_start3A_254] : memref<8x128xi32, #tpu.memory_space<vmem>> -> memref<1x128xi32, #tpu.memory_space<vmem>>
        %dma_start3A_256 = tpu.memref_squeeze %dma_start3A_255 : memref<1x128xi32, #tpu.memory_space<vmem>> -> memref<128xi32, #tpu.memory_space<vmem>>
        %dma_start3A_257 = arith.constant 0 : i32
        %dma_start3A_258 = tpu.memref_slice %arg4[%add3A, %add3A_246, %dma_start3A_257] : memref<32x80x128xi32, #tpu.memory_space<hbm>> -> memref<1x1x128xi32, #tpu.memory_space<hbm>>
        %dma_start3A_259 = tpu.memref_squeeze %dma_start3A_258 : memref<1x1x128xi32, #tpu.memory_space<hbm>> -> memref<128xi32, #tpu.memory_space<hbm>>
        tpu.enqueue_dma source(%dma_start3A_259 : memref<128xi32, #tpu.memory_space<hbm>>) target(%dma_start3A_256 : memref<128xi32, #tpu.memory_space<vmem>>) target_semaphore(%arg14 : memref<!tpu.dma_semaphore, #tpu.memory_space<semaphore_mem>>)
      } else {
      }
      %add3A_114 = arith.constant 2 : i32
      %add3A_115 = arith.addi %add3A_88, %add3A_114 : i32
      %lt3A_116 = arith.constant 80 : i32
      %lt3A_117 = arith.cmpi slt, %add3A_115, %lt3A_116 : i32
      %convert_element_type3A_118 = arith.extui %lt3A_117 : i1 to i32
      %cond3A_119 = arith.constant 0 : i32
      %cond3A_120 = arith.cmpi ne, %convert_element_type3A_118, %cond3A_119 : i32
      scf.if %cond3A_120 {
        %add3A_245 = arith.constant 2 : i32
        %add3A_246 = arith.addi %add3A_88, %add3A_245 : i32
        %dma_start3A_247 = arith.constant 0 : i32
        %dma_start3A_248 = tpu.memref_slice %arg7[%add3A_246, %dma_start3A_247] : memref<80x128xi32, #tpu.memory_space<vmem>> -> memref<1x128xi32, #tpu.memory_space<vmem>>
        %dma_start3A_249 = tpu.memref_squeeze %dma_start3A_248 : memref<1x128xi32, #tpu.memory_space<vmem>> -> memref<128xi32, #tpu.memory_space<vmem>>
        %dma_start3A_250 = arith.constant 0 : i32
        %dma_start3A_251 = arith.constant 0 : i32
        %dma_start3A_252 = tpu.memref_slice %arg2[%dma_start3A_250, %dma_start3A_251] : memref<10000x128xf32, #tpu.memory_space<hbm>> -> memref<10000x128xf32, #tpu.memory_space<hbm>>
        tpu.enqueue_indirect_dma source(%dma_start3A_252 : memref<10000x128xf32, #tpu.memory_space<hbm>>) target(%arg9 : memref<128x128xf32, #tpu.memory_space<vmem>>) offsets(%dma_start3A_249 : memref<128xi32, #tpu.memory_space<vmem>>) semaphore(%arg12 : memref<!tpu.dma_semaphore, #tpu.memory_space<semaphore_mem>>)
      } else {
      }
      %mul3A_121 = arith.constant 4 : i32
      %mul3A_122 = arith.muli %scan3A_83, %mul3A_121 : i32
      %add3A_123 = arith.constant 1 : i32
      %add3A_124 = arith.addi %mul3A_122, %add3A_123 : i32
      %dma_wait3A_125 = arith.constant 0 : i32
      %dma_wait3A_126 = arith.constant 0 : i32
      %dma_wait3A_127 = tpu.memref_slice %arg7[%dma_wait3A_125, %dma_wait3A_126] : memref<80x128xi32, #tpu.memory_space<vmem>> -> memref<1x128xi32, #tpu.memory_space<vmem>>
      %dma_wait3A_128 = tpu.memref_squeeze %dma_wait3A_127 : memref<1x128xi32, #tpu.memory_space<vmem>> -> memref<128xi32, #tpu.memory_space<vmem>>
      %dma_wait3A_129 = arith.constant 0 : i32
      %dma_wait3A_130 = arith.constant 0 : i32
      %dma_wait3A_131 = tpu.memref_slice %arg2[%dma_wait3A_129, %dma_wait3A_130] : memref<10000x128xf32, #tpu.memory_space<hbm>> -> memref<10000x128xf32, #tpu.memory_space<hbm>>
      tpu.wait_indirect_dma semaphore(%arg13 : memref<!tpu.dma_semaphore, #tpu.memory_space<semaphore_mem>>) src(%dma_wait3A_131 : memref<10000x128xf32, #tpu.memory_space<hbm>>) dst(%arg10 : memref<128x128xf32, #tpu.memory_space<vmem>>)
      %dma_wait3A_132 = arith.constant 0 : i32
      %dma_wait3A_133 = arith.constant 0 : i32
      %dma_wait3A_134 = arith.constant 1 : i32
      %dma_wait3A_135 = arith.constant 0 : i32
      %dma_wait3A_136 = tpu.memref_slice %arg8[%dma_wait3A_134, %dma_wait3A_135] : memref<8x128xi32, #tpu.memory_space<vmem>> -> memref<1x128xi32, #tpu.memory_space<vmem>>
      %dma_wait3A_137 = tpu.memref_squeeze %dma_wait3A_136 : memref<1x128xi32, #tpu.memory_space<vmem>> -> memref<128xi32, #tpu.memory_space<vmem>>
      %dma_wait3A_138 = arith.constant 0 : i32
      %dma_wait3A_139 = tpu.memref_slice %arg4[%dma_wait3A_132, %dma_wait3A_133, %dma_wait3A_138] : memref<32x80x128xi32, #tpu.memory_space<hbm>> -> memref<1x1x128xi32, #tpu.memory_space<hbm>>
      %dma_wait3A_140 = tpu.memref_squeeze %dma_wait3A_139 : memref<1x1x128xi32, #tpu.memory_space<hbm>> -> memref<128xi32, #tpu.memory_space<hbm>>
      %dma_wait3A_141 = arith.constant 0 : i32
      %dma_wait3A_142 = tpu.memref_slice %arg8[%dma_wait3A_134, %dma_wait3A_141] : memref<8x128xi32, #tpu.memory_space<vmem>> -> memref<1x128xi32, #tpu.memory_space<vmem>>
      %dma_wait3A_143 = tpu.memref_squeeze %dma_wait3A_142 : memref<1x128xi32, #tpu.memory_space<vmem>> -> memref<128xi32, #tpu.memory_space<vmem>>
      %dma_wait3A_144 = arith.constant 0 : i32
      %dma_wait3A_145 = tpu.memref_slice %arg4[%dma_wait3A_132, %dma_wait3A_133, %dma_wait3A_144] : memref<32x80x128xi32, #tpu.memory_space<hbm>> -> memref<1x1x128xi32, #tpu.memory_space<hbm>>
      %dma_wait3A_146 = tpu.memref_squeeze %dma_wait3A_145 : memref<1x1x128xi32, #tpu.memory_space<hbm>> -> memref<128xi32, #tpu.memory_space<hbm>>
      tpu.wait_dma2 semaphore(%arg15 : memref<!tpu.dma_semaphore, #tpu.memory_space<semaphore_mem>>) src(%dma_wait3A_146 : memref<128xi32, #tpu.memory_space<hbm>>) dst(%dma_wait3A_143 : memref<128xi32, #tpu.memory_space<vmem>>)
      %run_scoped3A_147 = arith.constant 1 : i32
      "tpu.region"() ({
        %run_scoped3A_245 = tpu.sem_alloc : memref<!tpu.dma_semaphore, #tpu.memory_space<semaphore_mem>>
        %dma_start3A_246 = arith.constant 0 : i32
        %dma_start3A_247 = tpu.memref_slice %arg8[%run_scoped3A_147, %dma_start3A_246] : memref<8x128xi32, #tpu.memory_space<vmem>> -> memref<1x128xi32, #tpu.memory_space<vmem>>
        %dma_start3A_248 = tpu.memref_squeeze %dma_start3A_247 : memref<1x128xi32, #tpu.memory_space<vmem>> -> memref<128xi32, #tpu.memory_space<vmem>>
        %dma_start3A_249 = arith.constant 0 : i32
        %dma_start3A_250 = arith.constant 0 : i32
        %dma_start3A_251 = tpu.memref_slice %arg11[%dma_start3A_249, %dma_start3A_250] : memref<10112x128xf32, #tpu.memory_space<vmem_shared>> -> memref<10112x128xf32, #tpu.memory_space<vmem_shared>>
        tpu.enqueue_indirect_dma source(%arg10 : memref<128x128xf32, #tpu.memory_space<vmem>>) target(%dma_start3A_251 : memref<10112x128xf32, #tpu.memory_space<vmem_shared>>) offsets(%dma_start3A_248 : memref<128xi32, #tpu.memory_space<vmem>>) semaphore(%run_scoped3A_245 : memref<!tpu.dma_semaphore, #tpu.memory_space<semaphore_mem>>) {add = true}
        %dma_wait3A_252 = arith.constant 0 : i32
        %dma_wait3A_253 = tpu.memref_slice %arg8[%run_scoped3A_147, %dma_wait3A_252] : memref<8x128xi32, #tpu.memory_space<vmem>> -> memref<1x128xi32, #tpu.memory_space<vmem>>
        %dma_wait3A_254 = tpu.memref_squeeze %dma_wait3A_253 : memref<1x128xi32, #tpu.memory_space<vmem>> -> memref<128xi32, #tpu.memory_space<vmem>>
        %dma_wait3A_255 = arith.constant 0 : i32
        %dma_wait3A_256 = arith.constant 0 : i32
        %dma_wait3A_257 = tpu.memref_slice %arg11[%dma_wait3A_255, %dma_wait3A_256] : memref<10112x128xf32, #tpu.memory_space<vmem_shared>> -> memref<10112x128xf32, #tpu.memory_space<vmem_shared>>
        tpu.wait_indirect_dma semaphore(%run_scoped3A_245 : memref<!tpu.dma_semaphore, #tpu.memory_space<semaphore_mem>>) src(%arg10 : memref<128x128xf32, #tpu.memory_space<vmem>>) dst(%dma_wait3A_257 : memref<10112x128xf32, #tpu.memory_space<vmem_shared>>)
        tpu.yield
      }) : () -> ()
      %add3A_148 = arith.constant 4 : i32
      %add3A_149 = arith.addi %add3A_124, %add3A_148 : i32
      %lt3A_150 = arith.constant 80 : i32
      %lt3A_151 = arith.cmpi slt, %add3A_149, %lt3A_150 : i32
      %convert_element_type3A_152 = arith.extui %lt3A_151 : i1 to i32
      %cond3A_153 = arith.constant 0 : i32
      %cond3A_154 = arith.cmpi ne, %convert_element_type3A_152, %cond3A_153 : i32
      scf.if %cond3A_154 {
        %add3A_245 = arith.constant 4 : i32
        %add3A_246 = arith.addi %add3A_124, %add3A_245 : i32
        %dma_start3A_247 = arith.constant 1 : i32
        %dma_start3A_248 = arith.constant 0 : i32
        %dma_start3A_249 = tpu.memref_slice %arg8[%dma_start3A_247, %dma_start3A_248] : memref<8x128xi32, #tpu.memory_space<vmem>> -> memref<1x128xi32, #tpu.memory_space<vmem>>
        %dma_start3A_250 = tpu.memref_squeeze %dma_start3A_249 : memref<1x128xi32, #tpu.memory_space<vmem>> -> memref<128xi32, #tpu.memory_space<vmem>>
        %dma_start3A_251 = arith.constant 0 : i32
        %dma_start3A_252 = tpu.memref_slice %arg4[%add3A, %add3A_246, %dma_start3A_251] : memref<32x80x128xi32, #tpu.memory_space<hbm>> -> memref<1x1x128xi32, #tpu.memory_space<hbm>>
        %dma_start3A_253 = tpu.memref_squeeze %dma_start3A_252 : memref<1x1x128xi32, #tpu.memory_space<hbm>> -> memref<128xi32, #tpu.memory_space<hbm>>
        %dma_start3A_254 = arith.constant 0 : i32
        %dma_start3A_255 = tpu.memref_slice %arg8[%dma_start3A_247, %dma_start3A_254] : memref<8x128xi32, #tpu.memory_space<vmem>> -> memref<1x128xi32, #tpu.memory_space<vmem>>
        %dma_start3A_256 = tpu.memref_squeeze %dma_start3A_255 : memref<1x128xi32, #tpu.memory_space<vmem>> -> memref<128xi32, #tpu.memory_space<vmem>>
        %dma_start3A_257 = arith.constant 0 : i32
        %dma_start3A_258 = tpu.memref_slice %arg4[%add3A, %add3A_246, %dma_start3A_257] : memref<32x80x128xi32, #tpu.memory_space<hbm>> -> memref<1x1x128xi32, #tpu.memory_space<hbm>>
        %dma_start3A_259 = tpu.memref_squeeze %dma_start3A_258 : memref<1x1x128xi32, #tpu.memory_space<hbm>> -> memref<128xi32, #tpu.memory_space<hbm>>
        tpu.enqueue_dma source(%dma_start3A_259 : memref<128xi32, #tpu.memory_space<hbm>>) target(%dma_start3A_256 : memref<128xi32, #tpu.memory_space<vmem>>) target_semaphore(%arg15 : memref<!tpu.dma_semaphore, #tpu.memory_space<semaphore_mem>>)
      } else {
      }
      %add3A_155 = arith.constant 2 : i32
      %add3A_156 = arith.addi %add3A_124, %add3A_155 : i32
      %lt3A_157 = arith.constant 80 : i32
      %lt3A_158 = arith.cmpi slt, %add3A_156, %lt3A_157 : i32
      %convert_element_type3A_159 = arith.extui %lt3A_158 : i1 to i32
      %cond3A_160 = arith.constant 0 : i32
      %cond3A_161 = arith.cmpi ne, %convert_element_type3A_159, %cond3A_160 : i32
      scf.if %cond3A_161 {
        %add3A_245 = arith.constant 2 : i32
        %add3A_246 = arith.addi %add3A_124, %add3A_245 : i32
        %dma_start3A_247 = arith.constant 0 : i32
        %dma_start3A_248 = tpu.memref_slice %arg7[%add3A_246, %dma_start3A_247] : memref<80x128xi32, #tpu.memory_space<vmem>> -> memref<1x128xi32, #tpu.memory_space<vmem>>
        %dma_start3A_249 = tpu.memref_squeeze %dma_start3A_248 : memref<1x128xi32, #tpu.memory_space<vmem>> -> memref<128xi32, #tpu.memory_space<vmem>>
        %dma_start3A_250 = arith.constant 0 : i32
        %dma_start3A_251 = arith.constant 0 : i32
        %dma_start3A_252 = tpu.memref_slice %arg2[%dma_start3A_250, %dma_start3A_251] : memref<10000x128xf32, #tpu.memory_space<hbm>> -> memref<10000x128xf32, #tpu.memory_space<hbm>>
        tpu.enqueue_indirect_dma source(%dma_start3A_252 : memref<10000x128xf32, #tpu.memory_space<hbm>>) target(%arg10 : memref<128x128xf32, #tpu.memory_space<vmem>>) offsets(%dma_start3A_249 : memref<128xi32, #tpu.memory_space<vmem>>) semaphore(%arg13 : memref<!tpu.dma_semaphore, #tpu.memory_space<semaphore_mem>>)
      } else {
      }
      %mul3A_162 = arith.constant 4 : i32
      %mul3A_163 = arith.muli %scan3A_83, %mul3A_162 : i32
      %add3A_164 = arith.constant 2 : i32
      %add3A_165 = arith.addi %mul3A_163, %add3A_164 : i32
      %dma_wait3A_166 = arith.constant 0 : i32
      %dma_wait3A_167 = arith.constant 0 : i32
      %dma_wait3A_168 = tpu.memref_slice %arg7[%dma_wait3A_166, %dma_wait3A_167] : memref<80x128xi32, #tpu.memory_space<vmem>> -> memref<1x128xi32, #tpu.memory_space<vmem>>
      %dma_wait3A_169 = tpu.memref_squeeze %dma_wait3A_168 : memref<1x128xi32, #tpu.memory_space<vmem>> -> memref<128xi32, #tpu.memory_space<vmem>>
      %dma_wait3A_170 = arith.constant 0 : i32
      %dma_wait3A_171 = arith.constant 0 : i32
      %dma_wait3A_172 = tpu.memref_slice %arg2[%dma_wait3A_170, %dma_wait3A_171] : memref<10000x128xf32, #tpu.memory_space<hbm>> -> memref<10000x128xf32, #tpu.memory_space<hbm>>
      tpu.wait_indirect_dma semaphore(%arg12 : memref<!tpu.dma_semaphore, #tpu.memory_space<semaphore_mem>>) src(%dma_wait3A_172 : memref<10000x128xf32, #tpu.memory_space<hbm>>) dst(%arg9 : memref<128x128xf32, #tpu.memory_space<vmem>>)
      %dma_wait3A_173 = arith.constant 0 : i32
      %dma_wait3A_174 = arith.constant 0 : i32
      %dma_wait3A_175 = arith.constant 2 : i32
      %dma_wait3A_176 = arith.constant 0 : i32
      %dma_wait3A_177 = tpu.memref_slice %arg8[%dma_wait3A_175, %dma_wait3A_176] : memref<8x128xi32, #tpu.memory_space<vmem>> -> memref<1x128xi32, #tpu.memory_space<vmem>>
      %dma_wait3A_178 = tpu.memref_squeeze %dma_wait3A_177 : memref<1x128xi32, #tpu.memory_space<vmem>> -> memref<128xi32, #tpu.memory_space<vmem>>
      %dma_wait3A_179 = arith.constant 0 : i32
      %dma_wait3A_180 = tpu.memref_slice %arg4[%dma_wait3A_173, %dma_wait3A_174, %dma_wait3A_179] : memref<32x80x128xi32, #tpu.memory_space<hbm>> -> memref<1x1x128xi32, #tpu.memory_space<hbm>>
      %dma_wait3A_181 = tpu.memref_squeeze %dma_wait3A_180 : memref<1x1x128xi32, #tpu.memory_space<hbm>> -> memref<128xi32, #tpu.memory_space<hbm>>
      %dma_wait3A_182 = arith.constant 0 : i32
      %dma_wait3A_183 = tpu.memref_slice %arg8[%dma_wait3A_175, %dma_wait3A_182] : memref<8x128xi32, #tpu.memory_space<vmem>> -> memref<1x128xi32, #tpu.memory_space<vmem>>
      %dma_wait3A_184 = tpu.memref_squeeze %dma_wait3A_183 : memref<1x128xi32, #tpu.memory_space<vmem>> -> memref<128xi32, #tpu.memory_space<vmem>>
      %dma_wait3A_185 = arith.constant 0 : i32
      %dma_wait3A_186 = tpu.memref_slice %arg4[%dma_wait3A_173, %dma_wait3A_174, %dma_wait3A_185] : memref<32x80x128xi32, #tpu.memory_space<hbm>> -> memref<1x1x128xi32, #tpu.memory_space<hbm>>
      %dma_wait3A_187 = tpu.memref_squeeze %dma_wait3A_186 : memref<1x1x128xi32, #tpu.memory_space<hbm>> -> memref<128xi32, #tpu.memory_space<hbm>>
      tpu.wait_dma2 semaphore(%arg16 : memref<!tpu.dma_semaphore, #tpu.memory_space<semaphore_mem>>) src(%dma_wait3A_187 : memref<128xi32, #tpu.memory_space<hbm>>) dst(%dma_wait3A_184 : memref<128xi32, #tpu.memory_space<vmem>>)
      %run_scoped3A_188 = arith.constant 2 : i32
      "tpu.region"() ({
        %run_scoped3A_245 = tpu.sem_alloc : memref<!tpu.dma_semaphore, #tpu.memory_space<semaphore_mem>>
        %dma_start3A_246 = arith.constant 0 : i32
        %dma_start3A_247 = tpu.memref_slice %arg8[%run_scoped3A_188, %dma_start3A_246] : memref<8x128xi32, #tpu.memory_space<vmem>> -> memref<1x128xi32, #tpu.memory_space<vmem>>
        %dma_start3A_248 = tpu.memref_squeeze %dma_start3A_247 : memref<1x128xi32, #tpu.memory_space<vmem>> -> memref<128xi32, #tpu.memory_space<vmem>>
        %dma_start3A_249 = arith.constant 0 : i32
        %dma_start3A_250 = arith.constant 0 : i32
        %dma_start3A_251 = tpu.memref_slice %arg11[%dma_start3A_249, %dma_start3A_250] : memref<10112x128xf32, #tpu.memory_space<vmem_shared>> -> memref<10112x128xf32, #tpu.memory_space<vmem_shared>>
        tpu.enqueue_indirect_dma source(%arg9 : memref<128x128xf32, #tpu.memory_space<vmem>>) target(%dma_start3A_251 : memref<10112x128xf32, #tpu.memory_space<vmem_shared>>) offsets(%dma_start3A_248 : memref<128xi32, #tpu.memory_space<vmem>>) semaphore(%run_scoped3A_245 : memref<!tpu.dma_semaphore, #tpu.memory_space<semaphore_mem>>) {add = true}
        %dma_wait3A_252 = arith.constant 0 : i32
        %dma_wait3A_253 = tpu.memref_slice %arg8[%run_scoped3A_188, %dma_wait3A_252] : memref<8x128xi32, #tpu.memory_space<vmem>> -> memref<1x128xi32, #tpu.memory_space<vmem>>
        %dma_wait3A_254 = tpu.memref_squeeze %dma_wait3A_253 : memref<1x128xi32, #tpu.memory_space<vmem>> -> memref<128xi32, #tpu.memory_space<vmem>>
        %dma_wait3A_255 = arith.constant 0 : i32
        %dma_wait3A_256 = arith.constant 0 : i32
        %dma_wait3A_257 = tpu.memref_slice %arg11[%dma_wait3A_255, %dma_wait3A_256] : memref<10112x128xf32, #tpu.memory_space<vmem_shared>> -> memref<10112x128xf32, #tpu.memory_space<vmem_shared>>
        tpu.wait_indirect_dma semaphore(%run_scoped3A_245 : memref<!tpu.dma_semaphore, #tpu.memory_space<semaphore_mem>>) src(%arg9 : memref<128x128xf32, #tpu.memory_space<vmem>>) dst(%dma_wait3A_257 : memref<10112x128xf32, #tpu.memory_space<vmem_shared>>)
        tpu.yield
      }) : () -> ()
      %add3A_189 = arith.constant 4 : i32
      %add3A_190 = arith.addi %add3A_165, %add3A_189 : i32
      %lt3A_191 = arith.constant 80 : i32
      %lt3A_192 = arith.cmpi slt, %add3A_190, %lt3A_191 : i32
      %convert_element_type3A_193 = arith.extui %lt3A_192 : i1 to i32
      %cond3A_194 = arith.constant 0 : i32
      %cond3A_195 = arith.cmpi ne, %convert_element_type3A_193, %cond3A_194 : i32
      scf.if %cond3A_195 {
        %add3A_245 = arith.constant 4 : i32
        %add3A_246 = arith.addi %add3A_165, %add3A_245 : i32
        %dma_start3A_247 = arith.constant 2 : i32
        %dma_start3A_248 = arith.constant 0 : i32
        %dma_start3A_249 = tpu.memref_slice %arg8[%dma_start3A_247, %dma_start3A_248] : memref<8x128xi32, #tpu.memory_space<vmem>> -> memref<1x128xi32, #tpu.memory_space<vmem>>
        %dma_start3A_250 = tpu.memref_squeeze %dma_start3A_249 : memref<1x128xi32, #tpu.memory_space<vmem>> -> memref<128xi32, #tpu.memory_space<vmem>>
        %dma_start3A_251 = arith.constant 0 : i32
        %dma_start3A_252 = tpu.memref_slice %arg4[%add3A, %add3A_246, %dma_start3A_251] : memref<32x80x128xi32, #tpu.memory_space<hbm>> -> memref<1x1x128xi32, #tpu.memory_space<hbm>>
        %dma_start3A_253 = tpu.memref_squeeze %dma_start3A_252 : memref<1x1x128xi32, #tpu.memory_space<hbm>> -> memref<128xi32, #tpu.memory_space<hbm>>
        %dma_start3A_254 = arith.constant 0 : i32
        %dma_start3A_255 = tpu.memref_slice %arg8[%dma_start3A_247, %dma_start3A_254] : memref<8x128xi32, #tpu.memory_space<vmem>> -> memref<1x128xi32, #tpu.memory_space<vmem>>
        %dma_start3A_256 = tpu.memref_squeeze %dma_start3A_255 : memref<1x128xi32, #tpu.memory_space<vmem>> -> memref<128xi32, #tpu.memory_space<vmem>>
        %dma_start3A_257 = arith.constant 0 : i32
        %dma_start3A_258 = tpu.memref_slice %arg4[%add3A, %add3A_246, %dma_start3A_257] : memref<32x80x128xi32, #tpu.memory_space<hbm>> -> memref<1x1x128xi32, #tpu.memory_space<hbm>>
        %dma_start3A_259 = tpu.memref_squeeze %dma_start3A_258 : memref<1x1x128xi32, #tpu.memory_space<hbm>> -> memref<128xi32, #tpu.memory_space<hbm>>
        tpu.enqueue_dma source(%dma_start3A_259 : memref<128xi32, #tpu.memory_space<hbm>>) target(%dma_start3A_256 : memref<128xi32, #tpu.memory_space<vmem>>) target_semaphore(%arg16 : memref<!tpu.dma_semaphore, #tpu.memory_space<semaphore_mem>>)
      } else {
      }
      %add3A_196 = arith.constant 2 : i32
      %add3A_197 = arith.addi %add3A_165, %add3A_196 : i32
      %lt3A_198 = arith.constant 80 : i32
      %lt3A_199 = arith.cmpi slt, %add3A_197, %lt3A_198 : i32
      %convert_element_type3A_200 = arith.extui %lt3A_199 : i1 to i32
      %cond3A_201 = arith.constant 0 : i32
      %cond3A_202 = arith.cmpi ne, %convert_element_type3A_200, %cond3A_201 : i32
      scf.if %cond3A_202 {
        %add3A_245 = arith.constant 2 : i32
        %add3A_246 = arith.addi %add3A_165, %add3A_245 : i32
        %dma_start3A_247 = arith.constant 0 : i32
        %dma_start3A_248 = tpu.memref_slice %arg7[%add3A_246, %dma_start3A_247] : memref<80x128xi32, #tpu.memory_space<vmem>> -> memref<1x128xi32, #tpu.memory_space<vmem>>
        %dma_start3A_249 = tpu.memref_squeeze %dma_start3A_248 : memref<1x128xi32, #tpu.memory_space<vmem>> -> memref<128xi32, #tpu.memory_space<vmem>>
        %dma_start3A_250 = arith.constant 0 : i32
        %dma_start3A_251 = arith.constant 0 : i32
        %dma_start3A_252 = tpu.memref_slice %arg2[%dma_start3A_250, %dma_start3A_251] : memref<10000x128xf32, #tpu.memory_space<hbm>> -> memref<10000x128xf32, #tpu.memory_space<hbm>>
        tpu.enqueue_indirect_dma source(%dma_start3A_252 : memref<10000x128xf32, #tpu.memory_space<hbm>>) target(%arg9 : memref<128x128xf32, #tpu.memory_space<vmem>>) offsets(%dma_start3A_249 : memref<128xi32, #tpu.memory_space<vmem>>) semaphore(%arg12 : memref<!tpu.dma_semaphore, #tpu.memory_space<semaphore_mem>>)
      } else {
      }
      %mul3A_203 = arith.constant 4 : i32
      %mul3A_204 = arith.muli %scan3A_83, %mul3A_203 : i32
      %add3A_205 = arith.constant 3 : i32
      %add3A_206 = arith.addi %mul3A_204, %add3A_205 : i32
      %dma_wait3A_207 = arith.constant 0 : i32
      %dma_wait3A_208 = arith.constant 0 : i32
      %dma_wait3A_209 = tpu.memref_slice %arg7[%dma_wait3A_207, %dma_wait3A_208] : memref<80x128xi32, #tpu.memory_space<vmem>> -> memref<1x128xi32, #tpu.memory_space<vmem>>
      %dma_wait3A_210 = tpu.memref_squeeze %dma_wait3A_209 : memref<1x128xi32, #tpu.memory_space<vmem>> -> memref<128xi32, #tpu.memory_space<vmem>>
      %dma_wait3A_211 = arith.constant 0 : i32
      %dma_wait3A_212 = arith.constant 0 : i32
      %dma_wait3A_213 = tpu.memref_slice %arg2[%dma_wait3A_211, %dma_wait3A_212] : memref<10000x128xf32, #tpu.memory_space<hbm>> -> memref<10000x128xf32, #tpu.memory_space<hbm>>
      tpu.wait_indirect_dma semaphore(%arg13 : memref<!tpu.dma_semaphore, #tpu.memory_space<semaphore_mem>>) src(%dma_wait3A_213 : memref<10000x128xf32, #tpu.memory_space<hbm>>) dst(%arg10 : memref<128x128xf32, #tpu.memory_space<vmem>>)
      %dma_wait3A_214 = arith.constant 0 : i32
      %dma_wait3A_215 = arith.constant 0 : i32
      %dma_wait3A_216 = arith.constant 3 : i32
      %dma_wait3A_217 = arith.constant 0 : i32
      %dma_wait3A_218 = tpu.memref_slice %arg8[%dma_wait3A_216, %dma_wait3A_217] : memref<8x128xi32, #tpu.memory_space<vmem>> -> memref<1x128xi32, #tpu.memory_space<vmem>>
      %dma_wait3A_219 = tpu.memref_squeeze %dma_wait3A_218 : memref<1x128xi32, #tpu.memory_space<vmem>> -> memref<128xi32, #tpu.memory_space<vmem>>
      %dma_wait3A_220 = arith.constant 0 : i32
      %dma_wait3A_221 = tpu.memref_slice %arg4[%dma_wait3A_214, %dma_wait3A_215, %dma_wait3A_220] : memref<32x80x128xi32, #tpu.memory_space<hbm>> -> memref<1x1x128xi32, #tpu.memory_space<hbm>>
      %dma_wait3A_222 = tpu.memref_squeeze %dma_wait3A_221 : memref<1x1x128xi32, #tpu.memory_space<hbm>> -> memref<128xi32, #tpu.memory_space<hbm>>
      %dma_wait3A_223 = arith.constant 0 : i32
      %dma_wait3A_224 = tpu.memref_slice %arg8[%dma_wait3A_216, %dma_wait3A_223] : memref<8x128xi32, #tpu.memory_space<vmem>> -> memref<1x128xi32, #tpu.memory_space<vmem>>
      %dma_wait3A_225 = tpu.memref_squeeze %dma_wait3A_224 : memref<1x128xi32, #tpu.memory_space<vmem>> -> memref<128xi32, #tpu.memory_space<vmem>>
      %dma_wait3A_226 = arith.constant 0 : i32
      %dma_wait3A_227 = tpu.memref_slice %arg4[%dma_wait3A_214, %dma_wait3A_215, %dma_wait3A_226] : memref<32x80x128xi32, #tpu.memory_space<hbm>> -> memref<1x1x128xi32, #tpu.memory_space<hbm>>
      %dma_wait3A_228 = tpu.memref_squeeze %dma_wait3A_227 : memref<1x1x128xi32, #tpu.memory_space<hbm>> -> memref<128xi32, #tpu.memory_space<hbm>>
      tpu.wait_dma2 semaphore(%arg17 : memref<!tpu.dma_semaphore, #tpu.memory_space<semaphore_mem>>) src(%dma_wait3A_228 : memref<128xi32, #tpu.memory_space<hbm>>) dst(%dma_wait3A_225 : memref<128xi32, #tpu.memory_space<vmem>>)
      %run_scoped3A_229 = arith.constant 3 : i32
      "tpu.region"() ({
        %run_scoped3A_245 = tpu.sem_alloc : memref<!tpu.dma_semaphore, #tpu.memory_space<semaphore_mem>>
        %dma_start3A_246 = arith.constant 0 : i32
        %dma_start3A_247 = tpu.memref_slice %arg8[%run_scoped3A_229, %dma_start3A_246] : memref<8x128xi32, #tpu.memory_space<vmem>> -> memref<1x128xi32, #tpu.memory_space<vmem>>
        %dma_start3A_248 = tpu.memref_squeeze %dma_start3A_247 : memref<1x128xi32, #tpu.memory_space<vmem>> -> memref<128xi32, #tpu.memory_space<vmem>>
        %dma_start3A_249 = arith.constant 0 : i32
        %dma_start3A_250 = arith.constant 0 : i32
        %dma_start3A_251 = tpu.memref_slice %arg11[%dma_start3A_249, %dma_start3A_250] : memref<10112x128xf32, #tpu.memory_space<vmem_shared>> -> memref<10112x128xf32, #tpu.memory_space<vmem_shared>>
        tpu.enqueue_indirect_dma source(%arg10 : memref<128x128xf32, #tpu.memory_space<vmem>>) target(%dma_start3A_251 : memref<10112x128xf32, #tpu.memory_space<vmem_shared>>) offsets(%dma_start3A_248 : memref<128xi32, #tpu.memory_space<vmem>>) semaphore(%run_scoped3A_245 : memref<!tpu.dma_semaphore, #tpu.memory_space<semaphore_mem>>) {add = true}
        %dma_wait3A_252 = arith.constant 0 : i32
        %dma_wait3A_253 = tpu.memref_slice %arg8[%run_scoped3A_229, %dma_wait3A_252] : memref<8x128xi32, #tpu.memory_space<vmem>> -> memref<1x128xi32, #tpu.memory_space<vmem>>
        %dma_wait3A_254 = tpu.memref_squeeze %dma_wait3A_253 : memref<1x128xi32, #tpu.memory_space<vmem>> -> memref<128xi32, #tpu.memory_space<vmem>>
        %dma_wait3A_255 = arith.constant 0 : i32
        %dma_wait3A_256 = arith.constant 0 : i32
        %dma_wait3A_257 = tpu.memref_slice %arg11[%dma_wait3A_255, %dma_wait3A_256] : memref<10112x128xf32, #tpu.memory_space<vmem_shared>> -> memref<10112x128xf32, #tpu.memory_space<vmem_shared>>
        tpu.wait_indirect_dma semaphore(%run_scoped3A_245 : memref<!tpu.dma_semaphore, #tpu.memory_space<semaphore_mem>>) src(%arg10 : memref<128x128xf32, #tpu.memory_space<vmem>>) dst(%dma_wait3A_257 : memref<10112x128xf32, #tpu.memory_space<vmem_shared>>)
        tpu.yield
      }) : () -> ()
      %add3A_230 = arith.constant 4 : i32
      %add3A_231 = arith.addi %add3A_206, %add3A_230 : i32
      %lt3A_232 = arith.constant 80 : i32
      %lt3A_233 = arith.cmpi slt, %add3A_231, %lt3A_232 : i32
      %convert_element_type3A_234 = arith.extui %lt3A_233 : i1 to i32
      %cond3A_235 = arith.constant 0 : i32
      %cond3A_236 = arith.cmpi ne, %convert_element_type3A_234, %cond3A_235 : i32
      scf.if %cond3A_236 {
        %add3A_245 = arith.constant 4 : i32
        %add3A_246 = arith.addi %add3A_206, %add3A_245 : i32
        %dma_start3A_247 = arith.constant 3 : i32
        %dma_start3A_248 = arith.constant 0 : i32
        %dma_start3A_249 = tpu.memref_slice %arg8[%dma_start3A_247, %dma_start3A_248] : memref<8x128xi32, #tpu.memory_space<vmem>> -> memref<1x128xi32, #tpu.memory_space<vmem>>
        %dma_start3A_250 = tpu.memref_squeeze %dma_start3A_249 : memref<1x128xi32, #tpu.memory_space<vmem>> -> memref<128xi32, #tpu.memory_space<vmem>>
        %dma_start3A_251 = arith.constant 0 : i32
        %dma_start3A_252 = tpu.memref_slice %arg4[%add3A, %add3A_246, %dma_start3A_251] : memref<32x80x128xi32, #tpu.memory_space<hbm>> -> memref<1x1x128xi32, #tpu.memory_space<hbm>>
        %dma_start3A_253 = tpu.memref_squeeze %dma_start3A_252 : memref<1x1x128xi32, #tpu.memory_space<hbm>> -> memref<128xi32, #tpu.memory_space<hbm>>
        %dma_start3A_254 = arith.constant 0 : i32
        %dma_start3A_255 = tpu.memref_slice %arg8[%dma_start3A_247, %dma_start3A_254] : memref<8x128xi32, #tpu.memory_space<vmem>> -> memref<1x128xi32, #tpu.memory_space<vmem>>
        %dma_start3A_256 = tpu.memref_squeeze %dma_start3A_255 : memref<1x128xi32, #tpu.memory_space<vmem>> -> memref<128xi32, #tpu.memory_space<vmem>>
        %dma_start3A_257 = arith.constant 0 : i32
        %dma_start3A_258 = tpu.memref_slice %arg4[%add3A, %add3A_246, %dma_start3A_257] : memref<32x80x128xi32, #tpu.memory_space<hbm>> -> memref<1x1x128xi32, #tpu.memory_space<hbm>>
        %dma_start3A_259 = tpu.memref_squeeze %dma_start3A_258 : memref<1x1x128xi32, #tpu.memory_space<hbm>> -> memref<128xi32, #tpu.memory_space<hbm>>
        tpu.enqueue_dma source(%dma_start3A_259 : memref<128xi32, #tpu.memory_space<hbm>>) target(%dma_start3A_256 : memref<128xi32, #tpu.memory_space<vmem>>) target_semaphore(%arg17 : memref<!tpu.dma_semaphore, #tpu.memory_space<semaphore_mem>>)
      } else {
      }
      %add3A_237 = arith.constant 2 : i32
      %add3A_238 = arith.addi %add3A_206, %add3A_237 : i32
      %lt3A_239 = arith.constant 80 : i32
      %lt3A_240 = arith.cmpi slt, %add3A_238, %lt3A_239 : i32
      %convert_element_type3A_241 = arith.extui %lt3A_240 : i1 to i32
      %cond3A_242 = arith.constant 0 : i32
      %cond3A_243 = arith.cmpi ne, %convert_element_type3A_241, %cond3A_242 : i32
      scf.if %cond3A_243 {
        %add3A_245 = arith.constant 2 : i32
        %add3A_246 = arith.addi %add3A_206, %add3A_245 : i32
        %dma_start3A_247 = arith.constant 0 : i32
        %dma_start3A_248 = tpu.memref_slice %arg7[%add3A_246, %dma_start3A_247] : memref<80x128xi32, #tpu.memory_space<vmem>> -> memref<1x128xi32, #tpu.memory_space<vmem>>
        %dma_start3A_249 = tpu.memref_squeeze %dma_start3A_248 : memref<1x128xi32, #tpu.memory_space<vmem>> -> memref<128xi32, #tpu.memory_space<vmem>>
        %dma_start3A_250 = arith.constant 0 : i32
        %dma_start3A_251 = arith.constant 0 : i32
        %dma_start3A_252 = tpu.memref_slice %arg2[%dma_start3A_250, %dma_start3A_251] : memref<10000x128xf32, #tpu.memory_space<hbm>> -> memref<10000x128xf32, #tpu.memory_space<hbm>>
        tpu.enqueue_indirect_dma source(%dma_start3A_252 : memref<10000x128xf32, #tpu.memory_space<hbm>>) target(%arg10 : memref<128x128xf32, #tpu.memory_space<vmem>>) offsets(%dma_start3A_249 : memref<128xi32, #tpu.memory_space<vmem>>) semaphore(%arg13 : memref<!tpu.dma_semaphore, #tpu.memory_space<semaphore_mem>>)
      } else {
      }
      %scan3A_244 = arith.constant 0 : i32
      scf.yield %scan3A_244 : i32
    }
    %scan3A_77 = arith.constant 20 : i32
    %barrier3A_78 = arith.constant 0 : index
    tpu.barrier barrier_id(%barrier3A_78)
    %mul3A_79 = arith.constant 632 : i32
    %mul3A_80 = arith.muli %arg1, %mul3A_79 : i32
    %mul3A_81 = arith.constant 632 : i32
    %mul3A_82 = arith.muli %arg1, %mul3A_81 : i32
    "tpu.region"() ({
      %run_scoped3A = tpu.sem_alloc : memref<!tpu.dma_semaphore, #tpu.memory_space<semaphore_mem>>
      %dma_start3A_83 = arith.constant 0 : i32
      %dma_start3A_84 = tpu.memref_slice %arg6[%arg0, %mul3A_82, %dma_start3A_83] : memref<2x10112x128xf32, #tpu.memory_space<hbm>> -> memref<1x632x128xf32, #tpu.memory_space<hbm>>
      %dma_start3A_85 = tpu.memref_squeeze %dma_start3A_84 : memref<1x632x128xf32, #tpu.memory_space<hbm>> -> memref<632x128xf32, #tpu.memory_space<hbm>>
      %dma_start3A_86 = arith.constant 0 : i32
      %dma_start3A_87 = tpu.memref_slice %arg11[%mul3A_80, %dma_start3A_86] : memref<10112x128xf32, #tpu.memory_space<vmem_shared>> -> memref<632x128xf32, #tpu.memory_space<vmem_shared>>
      tpu.enqueue_dma source(%dma_start3A_87 : memref<632x128xf32, #tpu.memory_space<vmem_shared>>) target(%dma_start3A_85 : memref<632x128xf32, #tpu.memory_space<hbm>>) target_semaphore(%run_scoped3A : memref<!tpu.dma_semaphore, #tpu.memory_space<semaphore_mem>>)
      %dma_wait3A = arith.constant 0 : i32
      %dma_wait3A_88 = tpu.memref_slice %arg6[%arg0, %mul3A_82, %dma_wait3A] : memref<2x10112x128xf32, #tpu.memory_space<hbm>> -> memref<1x632x128xf32, #tpu.memory_space<hbm>>
      %dma_wait3A_89 = tpu.memref_squeeze %dma_wait3A_88 : memref<1x632x128xf32, #tpu.memory_space<hbm>> -> memref<632x128xf32, #tpu.memory_space<hbm>>
      %dma_wait3A_90 = arith.constant 0 : i32
      %dma_wait3A_91 = tpu.memref_slice %arg11[%mul3A_80, %dma_wait3A_90] : memref<10112x128xf32, #tpu.memory_space<vmem_shared>> -> memref<632x128xf32, #tpu.memory_space<vmem_shared>>
      tpu.wait_dma2 semaphore(%run_scoped3A : memref<!tpu.dma_semaphore, #tpu.memory_space<semaphore_mem>>) src(%dma_wait3A_91 : memref<632x128xf32, #tpu.memory_space<vmem_shared>>) dst(%dma_wait3A_89 : memref<632x128xf32, #tpu.memory_space<hbm>>)
      tpu.yield
    }) : () -> ()
    return
  }
}

#map = affine_map<(d0, d1) -> (0, 0)>
#map1 = affine_map<(d0, d1) -> (0, 0, 0)>
module attributes {stable_mosaic.version = 14 : i64} {
  func.func @agg(%arg0: i32, %arg1: i32, %arg2: memref<10000x128xf32, #tpu.memory_space<hbm>>, %arg3: memref<32x80x128xi32, #tpu.memory_space<hbm>>, %arg4: memref<32x80x128xi32, #tpu.memory_space<hbm>>, %arg5: memref<632x128xf32, #tpu.memory_space<hbm>>, %arg6: memref<2x10112x128xf32, #tpu.memory_space<hbm>>, %arg7: memref<80x128xi32, #tpu.memory_space<vmem>>, %arg8: memref<8x128xi32, #tpu.memory_space<vmem>>, %arg9: memref<128x128xf32, #tpu.memory_space<vmem>>, %arg10: memref<128x128xf32, #tpu.memory_space<vmem>>, %arg11: memref<10112x128xf32, #tpu.memory_space<vmem_shared>>, %arg12: memref<!tpu.dma_semaphore, #tpu.memory_space<semaphore_mem>>, %arg13: memref<!tpu.dma_semaphore, #tpu.memory_space<semaphore_mem>>, %arg14: memref<!tpu.dma_semaphore, #tpu.memory_space<semaphore_mem>>, %arg15: memref<!tpu.dma_semaphore, #tpu.memory_space<semaphore_mem>>, %arg16: memref<!tpu.dma_semaphore, #tpu.memory_space<semaphore_mem>>, %arg17: memref<!tpu.dma_semaphore, #tpu.memory_space<semaphore_mem>>) attributes {dimension_semantics = [#tpu.dimension_semantics<core_parallel>, #tpu.dimension_semantics<subcore_parallel>], iteration_bounds = array<i64: 2, 16>, scalar_prefetch = 0 : i64, scratch_operands = 11 : i64, tpu.core_type = #tpu.core_type<sc_vector_subcore>, window_params = [{transform_indices = #map}, {transform_indices = #map1}, {transform_indices = #map1}, {transform_indices = #map}, {transform_indices = #map1}]} {
    %mul3A = arith.constant 2 : i32
    %mul3A_0 = arith.muli %arg1, %mul3A : i32
    %add3A = arith.addi %mul3A_0, %arg0 : i32
    %mul3A_1 = arith.constant 632 : i32
    %mul3A_2 = arith.muli %arg1, %mul3A_1 : i32
    "tpu.region"() ({
      %run_scoped3A = tpu.sem_alloc : memref<!tpu.dma_semaphore, #tpu.memory_space<semaphore_mem>>
      %dma_start3A_83 = arith.constant 0 : i32
      %dma_start3A_84 = tpu.memref_slice %arg11[%mul3A_2, %dma_start3A_83] : memref<10112x128xf32, #tpu.memory_space<vmem_shared>> -> memref<632x128xf32, #tpu.memory_space<vmem_shared>>
      tpu.enqueue_dma source(%arg5 : memref<632x128xf32, #tpu.memory_space<hbm>>) target(%dma_start3A_84 : memref<632x128xf32, #tpu.memory_space<vmem_shared>>) target_semaphore(%run_scoped3A : memref<!tpu.dma_semaphore, #tpu.memory_space<semaphore_mem>>)
      %dma_wait3A = arith.constant 0 : i32
      %dma_wait3A_85 = tpu.memref_slice %arg11[%mul3A_2, %dma_wait3A] : memref<10112x128xf32, #tpu.memory_space<vmem_shared>> -> memref<632x128xf32, #tpu.memory_space<vmem_shared>>
      tpu.wait_dma2 semaphore(%run_scoped3A : memref<!tpu.dma_semaphore, #tpu.memory_space<semaphore_mem>>) src(%arg5 : memref<632x128xf32, #tpu.memory_space<hbm>>) dst(%dma_wait3A_85 : memref<632x128xf32, #tpu.memory_space<vmem_shared>>)
      tpu.yield
    }) : () -> ()
    "tpu.region"() ({
      %run_scoped3A = tpu.sem_alloc : memref<!tpu.dma_semaphore, #tpu.memory_space<semaphore_mem>>
      %dma_start3A_83 = arith.constant 0 : i32
      %dma_start3A_84 = arith.constant 0 : i32
      %dma_start3A_85 = tpu.memref_slice %arg3[%add3A, %dma_start3A_83, %dma_start3A_84] : memref<32x80x128xi32, #tpu.memory_space<hbm>> -> memref<1x80x128xi32, #tpu.memory_space<hbm>>
      %dma_start3A_86 = tpu.memref_squeeze %dma_start3A_85 : memref<1x80x128xi32, #tpu.memory_space<hbm>> -> memref<80x128xi32, #tpu.memory_space<hbm>>
      %dma_start3A_87 = arith.constant 0 : i32
      %dma_start3A_88 = arith.constant 0 : i32
      %dma_start3A_89 = tpu.memref_slice %arg3[%add3A, %dma_start3A_87, %dma_start3A_88] : memref<32x80x128xi32, #tpu.memory_space<hbm>> -> memref<1x80x128xi32, #tpu.memory_space<hbm>>
      %dma_start3A_90 = tpu.memref_squeeze %dma_start3A_89 : memref<1x80x128xi32, #tpu.memory_space<hbm>> -> memref<80x128xi32, #tpu.memory_space<hbm>>
      tpu.enqueue_dma source(%dma_start3A_90 : memref<80x128xi32, #tpu.memory_space<hbm>>) target(%arg7 : memref<80x128xi32, #tpu.memory_space<vmem>>) target_semaphore(%run_scoped3A : memref<!tpu.dma_semaphore, #tpu.memory_space<semaphore_mem>>)
      %dma_wait3A = arith.constant 0 : i32
      %dma_wait3A_91 = arith.constant 0 : i32
      %dma_wait3A_92 = tpu.memref_slice %arg3[%add3A, %dma_wait3A, %dma_wait3A_91] : memref<32x80x128xi32, #tpu.memory_space<hbm>> -> memref<1x80x128xi32, #tpu.memory_space<hbm>>
      %dma_wait3A_93 = tpu.memref_squeeze %dma_wait3A_92 : memref<1x80x128xi32, #tpu.memory_space<hbm>> -> memref<80x128xi32, #tpu.memory_space<hbm>>
      %dma_wait3A_94 = arith.constant 0 : i32
      %dma_wait3A_95 = arith.constant 0 : i32
      %dma_wait3A_96 = tpu.memref_slice %arg3[%add3A, %dma_wait3A_94, %dma_wait3A_95] : memref<32x80x128xi32, #tpu.memory_space<hbm>> -> memref<1x80x128xi32, #tpu.memory_space<hbm>>
      %dma_wait3A_97 = tpu.memref_squeeze %dma_wait3A_96 : memref<1x80x128xi32, #tpu.memory_space<hbm>> -> memref<80x128xi32, #tpu.memory_space<hbm>>
      tpu.wait_dma2 semaphore(%run_scoped3A : memref<!tpu.dma_semaphore, #tpu.memory_space<semaphore_mem>>) src(%dma_wait3A_97 : memref<80x128xi32, #tpu.memory_space<hbm>>) dst(%arg7 : memref<80x128xi32, #tpu.memory_space<vmem>>)
      tpu.yield
    }) : () -> ()
    %barrier3A = arith.constant 0 : index
    tpu.barrier barrier_id(%barrier3A)
    %dma_start3A = arith.constant 0 : i32
    %dma_start3A_3 = arith.constant 0 : i32
    %dma_start3A_4 = arith.constant 0 : i32
    %dma_start3A_5 = tpu.memref_slice %arg8[%dma_start3A_3, %dma_start3A_4] : memref<8x128xi32, #tpu.memory_space<vmem>> -> memref<1x128xi32, #tpu.memory_space<vmem>>
    %dma_start3A_6 = tpu.memref_squeeze %dma_start3A_5 : memref<1x128xi32, #tpu.memory_space<vmem>> -> memref<128xi32, #tpu.memory_space<vmem>>
    %dma_start3A_7 = arith.constant 0 : i32
    %dma_start3A_8 = tpu.memref_slice %arg4[%add3A, %dma_start3A, %dma_start3A_7] : memref<32x80x128xi32, #tpu.memory_space<hbm>> -> memref<1x1x128xi32, #tpu.memory_space<hbm>>
    %dma_start3A_9 = tpu.memref_squeeze %dma_start3A_8 : memref<1x1x128xi32, #tpu.memory_space<hbm>> -> memref<128xi32, #tpu.memory_space<hbm>>
    %dma_start3A_10 = arith.constant 0 : i32
    %dma_start3A_11 = tpu.memref_slice %arg8[%dma_start3A_3, %dma_start3A_10] : memref<8x128xi32, #tpu.memory_space<vmem>> -> memref<1x128xi32, #tpu.memory_space<vmem>>
    %dma_start3A_12 = tpu.memref_squeeze %dma_start3A_11 : memref<1x128xi32, #tpu.memory_space<vmem>> -> memref<128xi32, #tpu.memory_space<vmem>>
    %dma_start3A_13 = arith.constant 0 : i32
    %dma_start3A_14 = tpu.memref_slice %arg4[%add3A, %dma_start3A, %dma_start3A_13] : memref<32x80x128xi32, #tpu.memory_space<hbm>> -> memref<1x1x128xi32, #tpu.memory_space<hbm>>
    %dma_start3A_15 = tpu.memref_squeeze %dma_start3A_14 : memref<1x1x128xi32, #tpu.memory_space<hbm>> -> memref<128xi32, #tpu.memory_space<hbm>>
    tpu.enqueue_dma source(%dma_start3A_15 : memref<128xi32, #tpu.memory_space<hbm>>) target(%dma_start3A_12 : memref<128xi32, #tpu.memory_space<vmem>>) target_semaphore(%arg14 : memref<!tpu.dma_semaphore, #tpu.memory_space<semaphore_mem>>)
    %dma_start3A_16 = arith.constant 1 : i32
    %dma_start3A_17 = arith.constant 1 : i32
    %dma_start3A_18 = arith.constant 0 : i32
    %dma_start3A_19 = tpu.memref_slice %arg8[%dma_start3A_17, %dma_start3A_18] : memref<8x128xi32, #tpu.memory_space<vmem>> -> memref<1x128xi32, #tpu.memory_space<vmem>>
    %dma_start3A_20 = tpu.memref_squeeze %dma_start3A_19 : memref<1x128xi32, #tpu.memory_space<vmem>> -> memref<128xi32, #tpu.memory_space<vmem>>
    %dma_start3A_21 = arith.constant 0 : i32
    %dma_start3A_22 = tpu.memref_slice %arg4[%add3A, %dma_start3A_16, %dma_start3A_21] : memref<32x80x128xi32, #tpu.memory_space<hbm>> -> memref<1x1x128xi32, #tpu.memory_space<hbm>>
    %dma_start3A_23 = tpu.memref_squeeze %dma_start3A_22 : memref<1x1x128xi32, #tpu.memory_space<hbm>> -> memref<128xi32, #tpu.memory_space<hbm>>
    %dma_start3A_24 = arith.constant 0 : i32
    %dma_start3A_25 = tpu.memref_slice %arg8[%dma_start3A_17, %dma_start3A_24] : memref<8x128xi32, #tpu.memory_space<vmem>> -> memref<1x128xi32, #tpu.memory_space<vmem>>
    %dma_start3A_26 = tpu.memref_squeeze %dma_start3A_25 : memref<1x128xi32, #tpu.memory_space<vmem>> -> memref<128xi32, #tpu.memory_space<vmem>>
    %dma_start3A_27 = arith.constant 0 : i32
    %dma_start3A_28 = tpu.memref_slice %arg4[%add3A, %dma_start3A_16, %dma_start3A_27] : memref<32x80x128xi32, #tpu.memory_space<hbm>> -> memref<1x1x128xi32, #tpu.memory_space<hbm>>
    %dma_start3A_29 = tpu.memref_squeeze %dma_start3A_28 : memref<1x1x128xi32, #tpu.memory_space<hbm>> -> memref<128xi32, #tpu.memory_space<hbm>>
    tpu.enqueue_dma source(%dma_start3A_29 : memref<128xi32, #tpu.memory_space<hbm>>) target(%dma_start3A_26 : memref<128xi32, #tpu.memory_space<vmem>>) target_semaphore(%arg15 : memref<!tpu.dma_semaphore, #tpu.memory_space<semaphore_mem>>)
    %dma_start3A_30 = arith.constant 2 : i32
    %dma_start3A_31 = arith.constant 2 : i32
    %dma_start3A_32 = arith.constant 0 : i32
    %dma_start3A_33 = tpu.memref_slice %arg8[%dma_start3A_31, %dma_start3A_32] : memref<8x128xi32, #tpu.memory_space<vmem>> -> memref<1x128xi32, #tpu.memory_space<vmem>>
    %dma_start3A_34 = tpu.memref_squeeze %dma_start3A_33 : memref<1x128xi32, #tpu.memory_space<vmem>> -> memref<128xi32, #tpu.memory_space<vmem>>
    %dma_start3A_35 = arith.constant 0 : i32
    %dma_start3A_36 = tpu.memref_slice %arg4[%add3A, %dma_start3A_30, %dma_start3A_35] : memref<32x80x128xi32, #tpu.memory_space<hbm>> -> memref<1x1x128xi32, #tpu.memory_space<hbm>>
    %dma_start3A_37 = tpu.memref_squeeze %dma_start3A_36 : memref<1x1x128xi32, #tpu.memory_space<hbm>> -> memref<128xi32, #tpu.memory_space<hbm>>
    %dma_start3A_38 = arith.constant 0 : i32
    %dma_start3A_39 = tpu.memref_slice %arg8[%dma_start3A_31, %dma_start3A_38] : memref<8x128xi32, #tpu.memory_space<vmem>> -> memref<1x128xi32, #tpu.memory_space<vmem>>
    %dma_start3A_40 = tpu.memref_squeeze %dma_start3A_39 : memref<1x128xi32, #tpu.memory_space<vmem>> -> memref<128xi32, #tpu.memory_space<vmem>>
    %dma_start3A_41 = arith.constant 0 : i32
    %dma_start3A_42 = tpu.memref_slice %arg4[%add3A, %dma_start3A_30, %dma_start3A_41] : memref<32x80x128xi32, #tpu.memory_space<hbm>> -> memref<1x1x128xi32, #tpu.memory_space<hbm>>
    %dma_start3A_43 = tpu.memref_squeeze %dma_start3A_42 : memref<1x1x128xi32, #tpu.memory_space<hbm>> -> memref<128xi32, #tpu.memory_space<hbm>>
    tpu.enqueue_dma source(%dma_start3A_43 : memref<128xi32, #tpu.memory_space<hbm>>) target(%dma_start3A_40 : memref<128xi32, #tpu.memory_space<vmem>>) target_semaphore(%arg16 : memref<!tpu.dma_semaphore, #tpu.memory_space<semaphore_mem>>)
    %dma_start3A_44 = arith.constant 3 : i32
    %dma_start3A_45 = arith.constant 3 : i32
    %dma_start3A_46 = arith.constant 0 : i32
    %dma_start3A_47 = tpu.memref_slice %arg8[%dma_start3A_45, %dma_start3A_46] : memref<8x128xi32, #tpu.memory_space<vmem>> -> memref<1x128xi32, #tpu.memory_space<vmem>>
    %dma_start3A_48 = tpu.memref_squeeze %dma_start3A_47 : memref<1x128xi32, #tpu.memory_space<vmem>> -> memref<128xi32, #tpu.memory_space<vmem>>
    %dma_start3A_49 = arith.constant 0 : i32
    %dma_start3A_50 = tpu.memref_slice %arg4[%add3A, %dma_start3A_44, %dma_start3A_49] : memref<32x80x128xi32, #tpu.memory_space<hbm>> -> memref<1x1x128xi32, #tpu.memory_space<hbm>>
    %dma_start3A_51 = tpu.memref_squeeze %dma_start3A_50 : memref<1x1x128xi32, #tpu.memory_space<hbm>> -> memref<128xi32, #tpu.memory_space<hbm>>
    %dma_start3A_52 = arith.constant 0 : i32
    %dma_start3A_53 = tpu.memref_slice %arg8[%dma_start3A_45, %dma_start3A_52] : memref<8x128xi32, #tpu.memory_space<vmem>> -> memref<1x128xi32, #tpu.memory_space<vmem>>
    %dma_start3A_54 = tpu.memref_squeeze %dma_start3A_53 : memref<1x128xi32, #tpu.memory_space<vmem>> -> memref<128xi32, #tpu.memory_space<vmem>>
    %dma_start3A_55 = arith.constant 0 : i32
    %dma_start3A_56 = tpu.memref_slice %arg4[%add3A, %dma_start3A_44, %dma_start3A_55] : memref<32x80x128xi32, #tpu.memory_space<hbm>> -> memref<1x1x128xi32, #tpu.memory_space<hbm>>
    %dma_start3A_57 = tpu.memref_squeeze %dma_start3A_56 : memref<1x1x128xi32, #tpu.memory_space<hbm>> -> memref<128xi32, #tpu.memory_space<hbm>>
    tpu.enqueue_dma source(%dma_start3A_57 : memref<128xi32, #tpu.memory_space<hbm>>) target(%dma_start3A_54 : memref<128xi32, #tpu.memory_space<vmem>>) target_semaphore(%arg17 : memref<!tpu.dma_semaphore, #tpu.memory_space<semaphore_mem>>)
    %dma_start3A_58 = arith.constant 0 : i32
    %dma_start3A_59 = arith.constant 0 : i32
    %dma_start3A_60 = tpu.memref_slice %arg7[%dma_start3A_58, %dma_start3A_59] : memref<80x128xi32, #tpu.memory_space<vmem>> -> memref<1x128xi32, #tpu.memory_space<vmem>>
    %dma_start3A_61 = tpu.memref_squeeze %dma_start3A_60 : memref<1x128xi32, #tpu.memory_space<vmem>> -> memref<128xi32, #tpu.memory_space<vmem>>
    %dma_start3A_62 = arith.constant 0 : i32
    %dma_start3A_63 = arith.constant 0 : i32
    %dma_start3A_64 = tpu.memref_slice %arg2[%dma_start3A_62, %dma_start3A_63] : memref<10000x128xf32, #tpu.memory_space<hbm>> -> memref<10000x128xf32, #tpu.memory_space<hbm>>
    tpu.enqueue_indirect_dma source(%dma_start3A_64 : memref<10000x128xf32, #tpu.memory_space<hbm>>) target(%arg9 : memref<128x128xf32, #tpu.memory_space<vmem>>) offsets(%dma_start3A_61 : memref<128xi32, #tpu.memory_space<vmem>>) semaphore(%arg12 : memref<!tpu.dma_semaphore, #tpu.memory_space<semaphore_mem>>)
    %dma_start3A_65 = arith.constant 1 : i32
    %dma_start3A_66 = arith.constant 0 : i32
    %dma_start3A_67 = tpu.memref_slice %arg7[%dma_start3A_65, %dma_start3A_66] : memref<80x128xi32, #tpu.memory_space<vmem>> -> memref<1x128xi32, #tpu.memory_space<vmem>>
    %dma_start3A_68 = tpu.memref_squeeze %dma_start3A_67 : memref<1x128xi32, #tpu.memory_space<vmem>> -> memref<128xi32, #tpu.memory_space<vmem>>
    %dma_start3A_69 = arith.constant 0 : i32
    %dma_start3A_70 = arith.constant 0 : i32
    %dma_start3A_71 = tpu.memref_slice %arg2[%dma_start3A_69, %dma_start3A_70] : memref<10000x128xf32, #tpu.memory_space<hbm>> -> memref<10000x128xf32, #tpu.memory_space<hbm>>
    tpu.enqueue_indirect_dma source(%dma_start3A_71 : memref<10000x128xf32, #tpu.memory_space<hbm>>) target(%arg10 : memref<128x128xf32, #tpu.memory_space<vmem>>) offsets(%dma_start3A_68 : memref<128xi32, #tpu.memory_space<vmem>>) semaphore(%arg13 : memref<!tpu.dma_semaphore, #tpu.memory_space<semaphore_mem>>)
    %scan3A = arith.constant 0 : i32
    %scan3A_72 = arith.constant 0 : i32
    %scan3A_73 = arith.constant 20 : i32
    %scan3A_74 = arith.addi %scan3A_72, %scan3A_73 : i32
    %scan3A_75 = arith.constant 1 : i32
    %scan3A_76 = scf.for %scan3A_83 = %scan3A_72 to %scan3A_74 step %scan3A_75 iter_args(%scan3A_84 = %scan3A) -> (i32)  : i32 {
      %mul3A_85 = arith.constant 4 : i32
      %mul3A_86 = arith.muli %scan3A_83, %mul3A_85 : i32
      %add3A_87 = arith.constant 0 : i32
      %add3A_88 = arith.addi %mul3A_86, %add3A_87 : i32
      %dma_wait3A = arith.constant 0 : i32
      %dma_wait3A_89 = arith.constant 0 : i32
      %dma_wait3A_90 = tpu.memref_slice %arg7[%dma_wait3A, %dma_wait3A_89] : memref<80x128xi32, #tpu.memory_space<vmem>> -> memref<1x128xi32, #tpu.memory_space<vmem>>
      %dma_wait3A_91 = tpu.memref_squeeze %dma_wait3A_90 : memref<1x128xi32, #tpu.memory_space<vmem>> -> memref<128xi32, #tpu.memory_space<vmem>>
      %dma_wait3A_92 = arith.constant 0 : i32
      %dma_wait3A_93 = arith.constant 0 : i32
      %dma_wait3A_94 = tpu.memref_slice %arg2[%dma_wait3A_92, %dma_wait3A_93] : memref<10000x128xf32, #tpu.memory_space<hbm>> -> memref<10000x128xf32, #tpu.memory_space<hbm>>
      tpu.wait_indirect_dma semaphore(%arg12 : memref<!tpu.dma_semaphore, #tpu.memory_space<semaphore_mem>>) src(%dma_wait3A_94 : memref<10000x128xf32, #tpu.memory_space<hbm>>) dst(%arg9 : memref<128x128xf32, #tpu.memory_space<vmem>>)
      %dma_wait3A_95 = arith.constant 0 : i32
      %dma_wait3A_96 = arith.constant 0 : i32
      %dma_wait3A_97 = arith.constant 0 : i32
      %dma_wait3A_98 = arith.constant 0 : i32
      %dma_wait3A_99 = tpu.memref_slice %arg8[%dma_wait3A_97, %dma_wait3A_98] : memref<8x128xi32, #tpu.memory_space<vmem>> -> memref<1x128xi32, #tpu.memory_space<vmem>>
      %dma_wait3A_100 = tpu.memref_squeeze %dma_wait3A_99 : memref<1x128xi32, #tpu.memory_space<vmem>> -> memref<128xi32, #tpu.memory_space<vmem>>
      %dma_wait3A_101 = arith.constant 0 : i32
      %dma_wait3A_102 = tpu.memref_slice %arg4[%dma_wait3A_95, %dma_wait3A_96, %dma_wait3A_101] : memref<32x80x128xi32, #tpu.memory_space<hbm>> -> memref<1x1x128xi32, #tpu.memory_space<hbm>>
      %dma_wait3A_103 = tpu.memref_squeeze %dma_wait3A_102 : memref<1x1x128xi32, #tpu.memory_space<hbm>> -> memref<128xi32, #tpu.memory_space<hbm>>
      %dma_wait3A_104 = arith.constant 0 : i32
      %dma_wait3A_105 = tpu.memref_slice %arg8[%dma_wait3A_97, %dma_wait3A_104] : memref<8x128xi32, #tpu.memory_space<vmem>> -> memref<1x128xi32, #tpu.memory_space<vmem>>
      %dma_wait3A_106 = tpu.memref_squeeze %dma_wait3A_105 : memref<1x128xi32, #tpu.memory_space<vmem>> -> memref<128xi32, #tpu.memory_space<vmem>>
      %dma_wait3A_107 = arith.constant 0 : i32
      %dma_wait3A_108 = tpu.memref_slice %arg4[%dma_wait3A_95, %dma_wait3A_96, %dma_wait3A_107] : memref<32x80x128xi32, #tpu.memory_space<hbm>> -> memref<1x1x128xi32, #tpu.memory_space<hbm>>
      %dma_wait3A_109 = tpu.memref_squeeze %dma_wait3A_108 : memref<1x1x128xi32, #tpu.memory_space<hbm>> -> memref<128xi32, #tpu.memory_space<hbm>>
      tpu.wait_dma2 semaphore(%arg14 : memref<!tpu.dma_semaphore, #tpu.memory_space<semaphore_mem>>) src(%dma_wait3A_109 : memref<128xi32, #tpu.memory_space<hbm>>) dst(%dma_wait3A_106 : memref<128xi32, #tpu.memory_space<vmem>>)
      %run_scoped3A = arith.constant 0 : i32
      "tpu.region"() ({
        %run_scoped3A_245 = tpu.sem_alloc : memref<!tpu.dma_semaphore, #tpu.memory_space<semaphore_mem>>
        %dma_start3A_246 = arith.constant 0 : i32
        %dma_start3A_247 = tpu.memref_slice %arg8[%run_scoped3A, %dma_start3A_246] : memref<8x128xi32, #tpu.memory_space<vmem>> -> memref<1x128xi32, #tpu.memory_space<vmem>>
        %dma_start3A_248 = tpu.memref_squeeze %dma_start3A_247 : memref<1x128xi32, #tpu.memory_space<vmem>> -> memref<128xi32, #tpu.memory_space<vmem>>
        %dma_start3A_249 = arith.constant 0 : i32
        %dma_start3A_250 = arith.constant 0 : i32
        %dma_start3A_251 = tpu.memref_slice %arg11[%dma_start3A_249, %dma_start3A_250] : memref<10112x128xf32, #tpu.memory_space<vmem_shared>> -> memref<10112x128xf32, #tpu.memory_space<vmem_shared>>
        tpu.enqueue_indirect_dma source(%arg9 : memref<128x128xf32, #tpu.memory_space<vmem>>) target(%dma_start3A_251 : memref<10112x128xf32, #tpu.memory_space<vmem_shared>>) offsets(%dma_start3A_248 : memref<128xi32, #tpu.memory_space<vmem>>) semaphore(%run_scoped3A_245 : memref<!tpu.dma_semaphore, #tpu.memory_space<semaphore_mem>>) {add = true}
        %dma_wait3A_252 = arith.constant 0 : i32
        %dma_wait3A_253 = tpu.memref_slice %arg8[%run_scoped3A, %dma_wait3A_252] : memref<8x128xi32, #tpu.memory_space<vmem>> -> memref<1x128xi32, #tpu.memory_space<vmem>>
        %dma_wait3A_254 = tpu.memref_squeeze %dma_wait3A_253 : memref<1x128xi32, #tpu.memory_space<vmem>> -> memref<128xi32, #tpu.memory_space<vmem>>
        %dma_wait3A_255 = arith.constant 0 : i32
        %dma_wait3A_256 = arith.constant 0 : i32
        %dma_wait3A_257 = tpu.memref_slice %arg11[%dma_wait3A_255, %dma_wait3A_256] : memref<10112x128xf32, #tpu.memory_space<vmem_shared>> -> memref<10112x128xf32, #tpu.memory_space<vmem_shared>>
        tpu.wait_indirect_dma semaphore(%run_scoped3A_245 : memref<!tpu.dma_semaphore, #tpu.memory_space<semaphore_mem>>) src(%arg9 : memref<128x128xf32, #tpu.memory_space<vmem>>) dst(%dma_wait3A_257 : memref<10112x128xf32, #tpu.memory_space<vmem_shared>>)
        tpu.yield
      }) : () -> ()
      %add3A_110 = arith.constant 4 : i32
      %add3A_111 = arith.addi %add3A_88, %add3A_110 : i32
      %lt3A = arith.constant 80 : i32
      %lt3A_112 = arith.cmpi slt, %add3A_111, %lt3A : i32
      %convert_element_type3A = arith.extui %lt3A_112 : i1 to i32
      %cond3A = arith.constant 0 : i32
      %cond3A_113 = arith.cmpi ne, %convert_element_type3A, %cond3A : i32
      scf.if %cond3A_113 {
        %add3A_245 = arith.constant 4 : i32
        %add3A_246 = arith.addi %add3A_88, %add3A_245 : i32
        %dma_start3A_247 = arith.constant 0 : i32
        %dma_start3A_248 = arith.constant 0 : i32
        %dma_start3A_249 = tpu.memref_slice %arg8[%dma_start3A_247, %dma_start3A_248] : memref<8x128xi32, #tpu.memory_space<vmem>> -> memref<1x128xi32, #tpu.memory_space<vmem>>
        %dma_start3A_250 = tpu.memref_squeeze %dma_start3A_249 : memref<1x128xi32, #tpu.memory_space<vmem>> -> memref<128xi32, #tpu.memory_space<vmem>>
        %dma_start3A_251 = arith.constant 0 : i32
        %dma_start3A_252 = tpu.memref_slice %arg4[%add3A, %add3A_246, %dma_start3A_251] : memref<32x80x128xi32, #tpu.memory_space<hbm>> -> memref<1x1x128xi32, #tpu.memory_space<hbm>>
        %dma_start3A_253 = tpu.memref_squeeze %dma_start3A_252 : memref<1x1x128xi32, #tpu.memory_space<hbm>> -> memref<128xi32, #tpu.memory_space<hbm>>
        %dma_start3A_254 = arith.constant 0 : i32
        %dma_start3A_255 = tpu.memref_slice %arg8[%dma_start3A_247, %dma_start3A_254] : memref<8x128xi32, #tpu.memory_space<vmem>> -> memref<1x128xi32, #tpu.memory_space<vmem>>
        %dma_start3A_256 = tpu.memref_squeeze %dma_start3A_255 : memref<1x128xi32, #tpu.memory_space<vmem>> -> memref<128xi32, #tpu.memory_space<vmem>>
        %dma_start3A_257 = arith.constant 0 : i32
        %dma_start3A_258 = tpu.memref_slice %arg4[%add3A, %add3A_246, %dma_start3A_257] : memref<32x80x128xi32, #tpu.memory_space<hbm>> -> memref<1x1x128xi32, #tpu.memory_space<hbm>>
        %dma_start3A_259 = tpu.memref_squeeze %dma_start3A_258 : memref<1x1x128xi32, #tpu.memory_space<hbm>> -> memref<128xi32, #tpu.memory_space<hbm>>
        tpu.enqueue_dma source(%dma_start3A_259 : memref<128xi32, #tpu.memory_space<hbm>>) target(%dma_start3A_256 : memref<128xi32, #tpu.memory_space<vmem>>) target_semaphore(%arg14 : memref<!tpu.dma_semaphore, #tpu.memory_space<semaphore_mem>>)
      } else {
      }
      %add3A_114 = arith.constant 2 : i32
      %add3A_115 = arith.addi %add3A_88, %add3A_114 : i32
      %lt3A_116 = arith.constant 80 : i32
      %lt3A_117 = arith.cmpi slt, %add3A_115, %lt3A_116 : i32
      %convert_element_type3A_118 = arith.extui %lt3A_117 : i1 to i32
      %cond3A_119 = arith.constant 0 : i32
      %cond3A_120 = arith.cmpi ne, %convert_element_type3A_118, %cond3A_119 : i32
      scf.if %cond3A_120 {
        %add3A_245 = arith.constant 2 : i32
        %add3A_246 = arith.addi %add3A_88, %add3A_245 : i32
        %dma_start3A_247 = arith.constant 0 : i32
        %dma_start3A_248 = tpu.memref_slice %arg7[%add3A_246, %dma_start3A_247] : memref<80x128xi32, #tpu.memory_space<vmem>> -> memref<1x128xi32, #tpu.memory_space<vmem>>
        %dma_start3A_249 = tpu.memref_squeeze %dma_start3A_248 : memref<1x128xi32, #tpu.memory_space<vmem>> -> memref<128xi32, #tpu.memory_space<vmem>>
        %dma_start3A_250 = arith.constant 0 : i32
        %dma_start3A_251 = arith.constant 0 : i32
        %dma_start3A_252 = tpu.memref_slice %arg2[%dma_start3A_250, %dma_start3A_251] : memref<10000x128xf32, #tpu.memory_space<hbm>> -> memref<10000x128xf32, #tpu.memory_space<hbm>>
        tpu.enqueue_indirect_dma source(%dma_start3A_252 : memref<10000x128xf32, #tpu.memory_space<hbm>>) target(%arg9 : memref<128x128xf32, #tpu.memory_space<vmem>>) offsets(%dma_start3A_249 : memref<128xi32, #tpu.memory_space<vmem>>) semaphore(%arg12 : memref<!tpu.dma_semaphore, #tpu.memory_space<semaphore_mem>>)
      } else {
      }
      %mul3A_121 = arith.constant 4 : i32
      %mul3A_122 = arith.muli %scan3A_83, %mul3A_121 : i32
      %add3A_123 = arith.constant 1 : i32
      %add3A_124 = arith.addi %mul3A_122, %add3A_123 : i32
      %dma_wait3A_125 = arith.constant 0 : i32
      %dma_wait3A_126 = arith.constant 0 : i32
      %dma_wait3A_127 = tpu.memref_slice %arg7[%dma_wait3A_125, %dma_wait3A_126] : memref<80x128xi32, #tpu.memory_space<vmem>> -> memref<1x128xi32, #tpu.memory_space<vmem>>
      %dma_wait3A_128 = tpu.memref_squeeze %dma_wait3A_127 : memref<1x128xi32, #tpu.memory_space<vmem>> -> memref<128xi32, #tpu.memory_space<vmem>>
      %dma_wait3A_129 = arith.constant 0 : i32
      %dma_wait3A_130 = arith.constant 0 : i32
      %dma_wait3A_131 = tpu.memref_slice %arg2[%dma_wait3A_129, %dma_wait3A_130] : memref<10000x128xf32, #tpu.memory_space<hbm>> -> memref<10000x128xf32, #tpu.memory_space<hbm>>
      tpu.wait_indirect_dma semaphore(%arg13 : memref<!tpu.dma_semaphore, #tpu.memory_space<semaphore_mem>>) src(%dma_wait3A_131 : memref<10000x128xf32, #tpu.memory_space<hbm>>) dst(%arg10 : memref<128x128xf32, #tpu.memory_space<vmem>>)
      %dma_wait3A_132 = arith.constant 0 : i32
      %dma_wait3A_133 = arith.constant 0 : i32
      %dma_wait3A_134 = arith.constant 1 : i32
      %dma_wait3A_135 = arith.constant 0 : i32
      %dma_wait3A_136 = tpu.memref_slice %arg8[%dma_wait3A_134, %dma_wait3A_135] : memref<8x128xi32, #tpu.memory_space<vmem>> -> memref<1x128xi32, #tpu.memory_space<vmem>>
      %dma_wait3A_137 = tpu.memref_squeeze %dma_wait3A_136 : memref<1x128xi32, #tpu.memory_space<vmem>> -> memref<128xi32, #tpu.memory_space<vmem>>
      %dma_wait3A_138 = arith.constant 0 : i32
      %dma_wait3A_139 = tpu.memref_slice %arg4[%dma_wait3A_132, %dma_wait3A_133, %dma_wait3A_138] : memref<32x80x128xi32, #tpu.memory_space<hbm>> -> memref<1x1x128xi32, #tpu.memory_space<hbm>>
      %dma_wait3A_140 = tpu.memref_squeeze %dma_wait3A_139 : memref<1x1x128xi32, #tpu.memory_space<hbm>> -> memref<128xi32, #tpu.memory_space<hbm>>
      %dma_wait3A_141 = arith.constant 0 : i32
      %dma_wait3A_142 = tpu.memref_slice %arg8[%dma_wait3A_134, %dma_wait3A_141] : memref<8x128xi32, #tpu.memory_space<vmem>> -> memref<1x128xi32, #tpu.memory_space<vmem>>
      %dma_wait3A_143 = tpu.memref_squeeze %dma_wait3A_142 : memref<1x128xi32, #tpu.memory_space<vmem>> -> memref<128xi32, #tpu.memory_space<vmem>>
      %dma_wait3A_144 = arith.constant 0 : i32
      %dma_wait3A_145 = tpu.memref_slice %arg4[%dma_wait3A_132, %dma_wait3A_133, %dma_wait3A_144] : memref<32x80x128xi32, #tpu.memory_space<hbm>> -> memref<1x1x128xi32, #tpu.memory_space<hbm>>
      %dma_wait3A_146 = tpu.memref_squeeze %dma_wait3A_145 : memref<1x1x128xi32, #tpu.memory_space<hbm>> -> memref<128xi32, #tpu.memory_space<hbm>>
      tpu.wait_dma2 semaphore(%arg15 : memref<!tpu.dma_semaphore, #tpu.memory_space<semaphore_mem>>) src(%dma_wait3A_146 : memref<128xi32, #tpu.memory_space<hbm>>) dst(%dma_wait3A_143 : memref<128xi32, #tpu.memory_space<vmem>>)
      %run_scoped3A_147 = arith.constant 1 : i32
      "tpu.region"() ({
        %run_scoped3A_245 = tpu.sem_alloc : memref<!tpu.dma_semaphore, #tpu.memory_space<semaphore_mem>>
        %dma_start3A_246 = arith.constant 0 : i32
        %dma_start3A_247 = tpu.memref_slice %arg8[%run_scoped3A_147, %dma_start3A_246] : memref<8x128xi32, #tpu.memory_space<vmem>> -> memref<1x128xi32, #tpu.memory_space<vmem>>
        %dma_start3A_248 = tpu.memref_squeeze %dma_start3A_247 : memref<1x128xi32, #tpu.memory_space<vmem>> -> memref<128xi32, #tpu.memory_space<vmem>>
        %dma_start3A_249 = arith.constant 0 : i32
        %dma_start3A_250 = arith.constant 0 : i32
        %dma_start3A_251 = tpu.memref_slice %arg11[%dma_start3A_249, %dma_start3A_250] : memref<10112x128xf32, #tpu.memory_space<vmem_shared>> -> memref<10112x128xf32, #tpu.memory_space<vmem_shared>>
        tpu.enqueue_indirect_dma source(%arg10 : memref<128x128xf32, #tpu.memory_space<vmem>>) target(%dma_start3A_251 : memref<10112x128xf32, #tpu.memory_space<vmem_shared>>) offsets(%dma_start3A_248 : memref<128xi32, #tpu.memory_space<vmem>>) semaphore(%run_scoped3A_245 : memref<!tpu.dma_semaphore, #tpu.memory_space<semaphore_mem>>) {add = true}
        %dma_wait3A_252 = arith.constant 0 : i32
        %dma_wait3A_253 = tpu.memref_slice %arg8[%run_scoped3A_147, %dma_wait3A_252] : memref<8x128xi32, #tpu.memory_space<vmem>> -> memref<1x128xi32, #tpu.memory_space<vmem>>
        %dma_wait3A_254 = tpu.memref_squeeze %dma_wait3A_253 : memref<1x128xi32, #tpu.memory_space<vmem>> -> memref<128xi32, #tpu.memory_space<vmem>>
        %dma_wait3A_255 = arith.constant 0 : i32
        %dma_wait3A_256 = arith.constant 0 : i32
        %dma_wait3A_257 = tpu.memref_slice %arg11[%dma_wait3A_255, %dma_wait3A_256] : memref<10112x128xf32, #tpu.memory_space<vmem_shared>> -> memref<10112x128xf32, #tpu.memory_space<vmem_shared>>
        tpu.wait_indirect_dma semaphore(%run_scoped3A_245 : memref<!tpu.dma_semaphore, #tpu.memory_space<semaphore_mem>>) src(%arg10 : memref<128x128xf32, #tpu.memory_space<vmem>>) dst(%dma_wait3A_257 : memref<10112x128xf32, #tpu.memory_space<vmem_shared>>)
        tpu.yield
      }) : () -> ()
      %add3A_148 = arith.constant 4 : i32
      %add3A_149 = arith.addi %add3A_124, %add3A_148 : i32
      %lt3A_150 = arith.constant 80 : i32
      %lt3A_151 = arith.cmpi slt, %add3A_149, %lt3A_150 : i32
      %convert_element_type3A_152 = arith.extui %lt3A_151 : i1 to i32
      %cond3A_153 = arith.constant 0 : i32
      %cond3A_154 = arith.cmpi ne, %convert_element_type3A_152, %cond3A_153 : i32
      scf.if %cond3A_154 {
        %add3A_245 = arith.constant 4 : i32
        %add3A_246 = arith.addi %add3A_124, %add3A_245 : i32
        %dma_start3A_247 = arith.constant 1 : i32
        %dma_start3A_248 = arith.constant 0 : i32
        %dma_start3A_249 = tpu.memref_slice %arg8[%dma_start3A_247, %dma_start3A_248] : memref<8x128xi32, #tpu.memory_space<vmem>> -> memref<1x128xi32, #tpu.memory_space<vmem>>
        %dma_start3A_250 = tpu.memref_squeeze %dma_start3A_249 : memref<1x128xi32, #tpu.memory_space<vmem>> -> memref<128xi32, #tpu.memory_space<vmem>>
        %dma_start3A_251 = arith.constant 0 : i32
        %dma_start3A_252 = tpu.memref_slice %arg4[%add3A, %add3A_246, %dma_start3A_251] : memref<32x80x128xi32, #tpu.memory_space<hbm>> -> memref<1x1x128xi32, #tpu.memory_space<hbm>>
        %dma_start3A_253 = tpu.memref_squeeze %dma_start3A_252 : memref<1x1x128xi32, #tpu.memory_space<hbm>> -> memref<128xi32, #tpu.memory_space<hbm>>
        %dma_start3A_254 = arith.constant 0 : i32
        %dma_start3A_255 = tpu.memref_slice %arg8[%dma_start3A_247, %dma_start3A_254] : memref<8x128xi32, #tpu.memory_space<vmem>> -> memref<1x128xi32, #tpu.memory_space<vmem>>
        %dma_start3A_256 = tpu.memref_squeeze %dma_start3A_255 : memref<1x128xi32, #tpu.memory_space<vmem>> -> memref<128xi32, #tpu.memory_space<vmem>>
        %dma_start3A_257 = arith.constant 0 : i32
        %dma_start3A_258 = tpu.memref_slice %arg4[%add3A, %add3A_246, %dma_start3A_257] : memref<32x80x128xi32, #tpu.memory_space<hbm>> -> memref<1x1x128xi32, #tpu.memory_space<hbm>>
        %dma_start3A_259 = tpu.memref_squeeze %dma_start3A_258 : memref<1x1x128xi32, #tpu.memory_space<hbm>> -> memref<128xi32, #tpu.memory_space<hbm>>
        tpu.enqueue_dma source(%dma_start3A_259 : memref<128xi32, #tpu.memory_space<hbm>>) target(%dma_start3A_256 : memref<128xi32, #tpu.memory_space<vmem>>) target_semaphore(%arg15 : memref<!tpu.dma_semaphore, #tpu.memory_space<semaphore_mem>>)
      } else {
      }
      %add3A_155 = arith.constant 2 : i32
      %add3A_156 = arith.addi %add3A_124, %add3A_155 : i32
      %lt3A_157 = arith.constant 80 : i32
      %lt3A_158 = arith.cmpi slt, %add3A_156, %lt3A_157 : i32
      %convert_element_type3A_159 = arith.extui %lt3A_158 : i1 to i32
      %cond3A_160 = arith.constant 0 : i32
      %cond3A_161 = arith.cmpi ne, %convert_element_type3A_159, %cond3A_160 : i32
      scf.if %cond3A_161 {
        %add3A_245 = arith.constant 2 : i32
        %add3A_246 = arith.addi %add3A_124, %add3A_245 : i32
        %dma_start3A_247 = arith.constant 0 : i32
        %dma_start3A_248 = tpu.memref_slice %arg7[%add3A_246, %dma_start3A_247] : memref<80x128xi32, #tpu.memory_space<vmem>> -> memref<1x128xi32, #tpu.memory_space<vmem>>
        %dma_start3A_249 = tpu.memref_squeeze %dma_start3A_248 : memref<1x128xi32, #tpu.memory_space<vmem>> -> memref<128xi32, #tpu.memory_space<vmem>>
        %dma_start3A_250 = arith.constant 0 : i32
        %dma_start3A_251 = arith.constant 0 : i32
        %dma_start3A_252 = tpu.memref_slice %arg2[%dma_start3A_250, %dma_start3A_251] : memref<10000x128xf32, #tpu.memory_space<hbm>> -> memref<10000x128xf32, #tpu.memory_space<hbm>>
        tpu.enqueue_indirect_dma source(%dma_start3A_252 : memref<10000x128xf32, #tpu.memory_space<hbm>>) target(%arg10 : memref<128x128xf32, #tpu.memory_space<vmem>>) offsets(%dma_start3A_249 : memref<128xi32, #tpu.memory_space<vmem>>) semaphore(%arg13 : memref<!tpu.dma_semaphore, #tpu.memory_space<semaphore_mem>>)
      } else {
      }
      %mul3A_162 = arith.constant 4 : i32
      %mul3A_163 = arith.muli %scan3A_83, %mul3A_162 : i32
      %add3A_164 = arith.constant 2 : i32
      %add3A_165 = arith.addi %mul3A_163, %add3A_164 : i32
      %dma_wait3A_166 = arith.constant 0 : i32
      %dma_wait3A_167 = arith.constant 0 : i32
      %dma_wait3A_168 = tpu.memref_slice %arg7[%dma_wait3A_166, %dma_wait3A_167] : memref<80x128xi32, #tpu.memory_space<vmem>> -> memref<1x128xi32, #tpu.memory_space<vmem>>
      %dma_wait3A_169 = tpu.memref_squeeze %dma_wait3A_168 : memref<1x128xi32, #tpu.memory_space<vmem>> -> memref<128xi32, #tpu.memory_space<vmem>>
      %dma_wait3A_170 = arith.constant 0 : i32
      %dma_wait3A_171 = arith.constant 0 : i32
      %dma_wait3A_172 = tpu.memref_slice %arg2[%dma_wait3A_170, %dma_wait3A_171] : memref<10000x128xf32, #tpu.memory_space<hbm>> -> memref<10000x128xf32, #tpu.memory_space<hbm>>
      tpu.wait_indirect_dma semaphore(%arg12 : memref<!tpu.dma_semaphore, #tpu.memory_space<semaphore_mem>>) src(%dma_wait3A_172 : memref<10000x128xf32, #tpu.memory_space<hbm>>) dst(%arg9 : memref<128x128xf32, #tpu.memory_space<vmem>>)
      %dma_wait3A_173 = arith.constant 0 : i32
      %dma_wait3A_174 = arith.constant 0 : i32
      %dma_wait3A_175 = arith.constant 2 : i32
      %dma_wait3A_176 = arith.constant 0 : i32
      %dma_wait3A_177 = tpu.memref_slice %arg8[%dma_wait3A_175, %dma_wait3A_176] : memref<8x128xi32, #tpu.memory_space<vmem>> -> memref<1x128xi32, #tpu.memory_space<vmem>>
      %dma_wait3A_178 = tpu.memref_squeeze %dma_wait3A_177 : memref<1x128xi32, #tpu.memory_space<vmem>> -> memref<128xi32, #tpu.memory_space<vmem>>
      %dma_wait3A_179 = arith.constant 0 : i32
      %dma_wait3A_180 = tpu.memref_slice %arg4[%dma_wait3A_173, %dma_wait3A_174, %dma_wait3A_179] : memref<32x80x128xi32, #tpu.memory_space<hbm>> -> memref<1x1x128xi32, #tpu.memory_space<hbm>>
      %dma_wait3A_181 = tpu.memref_squeeze %dma_wait3A_180 : memref<1x1x128xi32, #tpu.memory_space<hbm>> -> memref<128xi32, #tpu.memory_space<hbm>>
      %dma_wait3A_182 = arith.constant 0 : i32
      %dma_wait3A_183 = tpu.memref_slice %arg8[%dma_wait3A_175, %dma_wait3A_182] : memref<8x128xi32, #tpu.memory_space<vmem>> -> memref<1x128xi32, #tpu.memory_space<vmem>>
      %dma_wait3A_184 = tpu.memref_squeeze %dma_wait3A_183 : memref<1x128xi32, #tpu.memory_space<vmem>> -> memref<128xi32, #tpu.memory_space<vmem>>
      %dma_wait3A_185 = arith.constant 0 : i32
      %dma_wait3A_186 = tpu.memref_slice %arg4[%dma_wait3A_173, %dma_wait3A_174, %dma_wait3A_185] : memref<32x80x128xi32, #tpu.memory_space<hbm>> -> memref<1x1x128xi32, #tpu.memory_space<hbm>>
      %dma_wait3A_187 = tpu.memref_squeeze %dma_wait3A_186 : memref<1x1x128xi32, #tpu.memory_space<hbm>> -> memref<128xi32, #tpu.memory_space<hbm>>
      tpu.wait_dma2 semaphore(%arg16 : memref<!tpu.dma_semaphore, #tpu.memory_space<semaphore_mem>>) src(%dma_wait3A_187 : memref<128xi32, #tpu.memory_space<hbm>>) dst(%dma_wait3A_184 : memref<128xi32, #tpu.memory_space<vmem>>)
      %run_scoped3A_188 = arith.constant 2 : i32
      "tpu.region"() ({
        %run_scoped3A_245 = tpu.sem_alloc : memref<!tpu.dma_semaphore, #tpu.memory_space<semaphore_mem>>
        %dma_start3A_246 = arith.constant 0 : i32
        %dma_start3A_247 = tpu.memref_slice %arg8[%run_scoped3A_188, %dma_start3A_246] : memref<8x128xi32, #tpu.memory_space<vmem>> -> memref<1x128xi32, #tpu.memory_space<vmem>>
        %dma_start3A_248 = tpu.memref_squeeze %dma_start3A_247 : memref<1x128xi32, #tpu.memory_space<vmem>> -> memref<128xi32, #tpu.memory_space<vmem>>
        %dma_start3A_249 = arith.constant 0 : i32
        %dma_start3A_250 = arith.constant 0 : i32
        %dma_start3A_251 = tpu.memref_slice %arg11[%dma_start3A_249, %dma_start3A_250] : memref<10112x128xf32, #tpu.memory_space<vmem_shared>> -> memref<10112x128xf32, #tpu.memory_space<vmem_shared>>
        tpu.enqueue_indirect_dma source(%arg9 : memref<128x128xf32, #tpu.memory_space<vmem>>) target(%dma_start3A_251 : memref<10112x128xf32, #tpu.memory_space<vmem_shared>>) offsets(%dma_start3A_248 : memref<128xi32, #tpu.memory_space<vmem>>) semaphore(%run_scoped3A_245 : memref<!tpu.dma_semaphore, #tpu.memory_space<semaphore_mem>>) {add = true}
        %dma_wait3A_252 = arith.constant 0 : i32
        %dma_wait3A_253 = tpu.memref_slice %arg8[%run_scoped3A_188, %dma_wait3A_252] : memref<8x128xi32, #tpu.memory_space<vmem>> -> memref<1x128xi32, #tpu.memory_space<vmem>>
        %dma_wait3A_254 = tpu.memref_squeeze %dma_wait3A_253 : memref<1x128xi32, #tpu.memory_space<vmem>> -> memref<128xi32, #tpu.memory_space<vmem>>
        %dma_wait3A_255 = arith.constant 0 : i32
        %dma_wait3A_256 = arith.constant 0 : i32
        %dma_wait3A_257 = tpu.memref_slice %arg11[%dma_wait3A_255, %dma_wait3A_256] : memref<10112x128xf32, #tpu.memory_space<vmem_shared>> -> memref<10112x128xf32, #tpu.memory_space<vmem_shared>>
        tpu.wait_indirect_dma semaphore(%run_scoped3A_245 : memref<!tpu.dma_semaphore, #tpu.memory_space<semaphore_mem>>) src(%arg9 : memref<128x128xf32, #tpu.memory_space<vmem>>) dst(%dma_wait3A_257 : memref<10112x128xf32, #tpu.memory_space<vmem_shared>>)
        tpu.yield
      }) : () -> ()
      %add3A_189 = arith.constant 4 : i32
      %add3A_190 = arith.addi %add3A_165, %add3A_189 : i32
      %lt3A_191 = arith.constant 80 : i32
      %lt3A_192 = arith.cmpi slt, %add3A_190, %lt3A_191 : i32
      %convert_element_type3A_193 = arith.extui %lt3A_192 : i1 to i32
      %cond3A_194 = arith.constant 0 : i32
      %cond3A_195 = arith.cmpi ne, %convert_element_type3A_193, %cond3A_194 : i32
      scf.if %cond3A_195 {
        %add3A_245 = arith.constant 4 : i32
        %add3A_246 = arith.addi %add3A_165, %add3A_245 : i32
        %dma_start3A_247 = arith.constant 2 : i32
        %dma_start3A_248 = arith.constant 0 : i32
        %dma_start3A_249 = tpu.memref_slice %arg8[%dma_start3A_247, %dma_start3A_248] : memref<8x128xi32, #tpu.memory_space<vmem>> -> memref<1x128xi32, #tpu.memory_space<vmem>>
        %dma_start3A_250 = tpu.memref_squeeze %dma_start3A_249 : memref<1x128xi32, #tpu.memory_space<vmem>> -> memref<128xi32, #tpu.memory_space<vmem>>
        %dma_start3A_251 = arith.constant 0 : i32
        %dma_start3A_252 = tpu.memref_slice %arg4[%add3A, %add3A_246, %dma_start3A_251] : memref<32x80x128xi32, #tpu.memory_space<hbm>> -> memref<1x1x128xi32, #tpu.memory_space<hbm>>
        %dma_start3A_253 = tpu.memref_squeeze %dma_start3A_252 : memref<1x1x128xi32, #tpu.memory_space<hbm>> -> memref<128xi32, #tpu.memory_space<hbm>>
        %dma_start3A_254 = arith.constant 0 : i32
        %dma_start3A_255 = tpu.memref_slice %arg8[%dma_start3A_247, %dma_start3A_254] : memref<8x128xi32, #tpu.memory_space<vmem>> -> memref<1x128xi32, #tpu.memory_space<vmem>>
        %dma_start3A_256 = tpu.memref_squeeze %dma_start3A_255 : memref<1x128xi32, #tpu.memory_space<vmem>> -> memref<128xi32, #tpu.memory_space<vmem>>
        %dma_start3A_257 = arith.constant 0 : i32
        %dma_start3A_258 = tpu.memref_slice %arg4[%add3A, %add3A_246, %dma_start3A_257] : memref<32x80x128xi32, #tpu.memory_space<hbm>> -> memref<1x1x128xi32, #tpu.memory_space<hbm>>
        %dma_start3A_259 = tpu.memref_squeeze %dma_start3A_258 : memref<1x1x128xi32, #tpu.memory_space<hbm>> -> memref<128xi32, #tpu.memory_space<hbm>>
        tpu.enqueue_dma source(%dma_start3A_259 : memref<128xi32, #tpu.memory_space<hbm>>) target(%dma_start3A_256 : memref<128xi32, #tpu.memory_space<vmem>>) target_semaphore(%arg16 : memref<!tpu.dma_semaphore, #tpu.memory_space<semaphore_mem>>)
      } else {
      }
      %add3A_196 = arith.constant 2 : i32
      %add3A_197 = arith.addi %add3A_165, %add3A_196 : i32
      %lt3A_198 = arith.constant 80 : i32
      %lt3A_199 = arith.cmpi slt, %add3A_197, %lt3A_198 : i32
      %convert_element_type3A_200 = arith.extui %lt3A_199 : i1 to i32
      %cond3A_201 = arith.constant 0 : i32
      %cond3A_202 = arith.cmpi ne, %convert_element_type3A_200, %cond3A_201 : i32
      scf.if %cond3A_202 {
        %add3A_245 = arith.constant 2 : i32
        %add3A_246 = arith.addi %add3A_165, %add3A_245 : i32
        %dma_start3A_247 = arith.constant 0 : i32
        %dma_start3A_248 = tpu.memref_slice %arg7[%add3A_246, %dma_start3A_247] : memref<80x128xi32, #tpu.memory_space<vmem>> -> memref<1x128xi32, #tpu.memory_space<vmem>>
        %dma_start3A_249 = tpu.memref_squeeze %dma_start3A_248 : memref<1x128xi32, #tpu.memory_space<vmem>> -> memref<128xi32, #tpu.memory_space<vmem>>
        %dma_start3A_250 = arith.constant 0 : i32
        %dma_start3A_251 = arith.constant 0 : i32
        %dma_start3A_252 = tpu.memref_slice %arg2[%dma_start3A_250, %dma_start3A_251] : memref<10000x128xf32, #tpu.memory_space<hbm>> -> memref<10000x128xf32, #tpu.memory_space<hbm>>
        tpu.enqueue_indirect_dma source(%dma_start3A_252 : memref<10000x128xf32, #tpu.memory_space<hbm>>) target(%arg9 : memref<128x128xf32, #tpu.memory_space<vmem>>) offsets(%dma_start3A_249 : memref<128xi32, #tpu.memory_space<vmem>>) semaphore(%arg12 : memref<!tpu.dma_semaphore, #tpu.memory_space<semaphore_mem>>)
      } else {
      }
      %mul3A_203 = arith.constant 4 : i32
      %mul3A_204 = arith.muli %scan3A_83, %mul3A_203 : i32
      %add3A_205 = arith.constant 3 : i32
      %add3A_206 = arith.addi %mul3A_204, %add3A_205 : i32
      %dma_wait3A_207 = arith.constant 0 : i32
      %dma_wait3A_208 = arith.constant 0 : i32
      %dma_wait3A_209 = tpu.memref_slice %arg7[%dma_wait3A_207, %dma_wait3A_208] : memref<80x128xi32, #tpu.memory_space<vmem>> -> memref<1x128xi32, #tpu.memory_space<vmem>>
      %dma_wait3A_210 = tpu.memref_squeeze %dma_wait3A_209 : memref<1x128xi32, #tpu.memory_space<vmem>> -> memref<128xi32, #tpu.memory_space<vmem>>
      %dma_wait3A_211 = arith.constant 0 : i32
      %dma_wait3A_212 = arith.constant 0 : i32
      %dma_wait3A_213 = tpu.memref_slice %arg2[%dma_wait3A_211, %dma_wait3A_212] : memref<10000x128xf32, #tpu.memory_space<hbm>> -> memref<10000x128xf32, #tpu.memory_space<hbm>>
      tpu.wait_indirect_dma semaphore(%arg13 : memref<!tpu.dma_semaphore, #tpu.memory_space<semaphore_mem>>) src(%dma_wait3A_213 : memref<10000x128xf32, #tpu.memory_space<hbm>>) dst(%arg10 : memref<128x128xf32, #tpu.memory_space<vmem>>)
      %dma_wait3A_214 = arith.constant 0 : i32
      %dma_wait3A_215 = arith.constant 0 : i32
      %dma_wait3A_216 = arith.constant 3 : i32
      %dma_wait3A_217 = arith.constant 0 : i32
      %dma_wait3A_218 = tpu.memref_slice %arg8[%dma_wait3A_216, %dma_wait3A_217] : memref<8x128xi32, #tpu.memory_space<vmem>> -> memref<1x128xi32, #tpu.memory_space<vmem>>
      %dma_wait3A_219 = tpu.memref_squeeze %dma_wait3A_218 : memref<1x128xi32, #tpu.memory_space<vmem>> -> memref<128xi32, #tpu.memory_space<vmem>>
      %dma_wait3A_220 = arith.constant 0 : i32
      %dma_wait3A_221 = tpu.memref_slice %arg4[%dma_wait3A_214, %dma_wait3A_215, %dma_wait3A_220] : memref<32x80x128xi32, #tpu.memory_space<hbm>> -> memref<1x1x128xi32, #tpu.memory_space<hbm>>
      %dma_wait3A_222 = tpu.memref_squeeze %dma_wait3A_221 : memref<1x1x128xi32, #tpu.memory_space<hbm>> -> memref<128xi32, #tpu.memory_space<hbm>>
      %dma_wait3A_223 = arith.constant 0 : i32
      %dma_wait3A_224 = tpu.memref_slice %arg8[%dma_wait3A_216, %dma_wait3A_223] : memref<8x128xi32, #tpu.memory_space<vmem>> -> memref<1x128xi32, #tpu.memory_space<vmem>>
      %dma_wait3A_225 = tpu.memref_squeeze %dma_wait3A_224 : memref<1x128xi32, #tpu.memory_space<vmem>> -> memref<128xi32, #tpu.memory_space<vmem>>
      %dma_wait3A_226 = arith.constant 0 : i32
      %dma_wait3A_227 = tpu.memref_slice %arg4[%dma_wait3A_214, %dma_wait3A_215, %dma_wait3A_226] : memref<32x80x128xi32, #tpu.memory_space<hbm>> -> memref<1x1x128xi32, #tpu.memory_space<hbm>>
      %dma_wait3A_228 = tpu.memref_squeeze %dma_wait3A_227 : memref<1x1x128xi32, #tpu.memory_space<hbm>> -> memref<128xi32, #tpu.memory_space<hbm>>
      tpu.wait_dma2 semaphore(%arg17 : memref<!tpu.dma_semaphore, #tpu.memory_space<semaphore_mem>>) src(%dma_wait3A_228 : memref<128xi32, #tpu.memory_space<hbm>>) dst(%dma_wait3A_225 : memref<128xi32, #tpu.memory_space<vmem>>)
      %run_scoped3A_229 = arith.constant 3 : i32
      "tpu.region"() ({
        %run_scoped3A_245 = tpu.sem_alloc : memref<!tpu.dma_semaphore, #tpu.memory_space<semaphore_mem>>
        %dma_start3A_246 = arith.constant 0 : i32
        %dma_start3A_247 = tpu.memref_slice %arg8[%run_scoped3A_229, %dma_start3A_246] : memref<8x128xi32, #tpu.memory_space<vmem>> -> memref<1x128xi32, #tpu.memory_space<vmem>>
        %dma_start3A_248 = tpu.memref_squeeze %dma_start3A_247 : memref<1x128xi32, #tpu.memory_space<vmem>> -> memref<128xi32, #tpu.memory_space<vmem>>
        %dma_start3A_249 = arith.constant 0 : i32
        %dma_start3A_250 = arith.constant 0 : i32
        %dma_start3A_251 = tpu.memref_slice %arg11[%dma_start3A_249, %dma_start3A_250] : memref<10112x128xf32, #tpu.memory_space<vmem_shared>> -> memref<10112x128xf32, #tpu.memory_space<vmem_shared>>
        tpu.enqueue_indirect_dma source(%arg10 : memref<128x128xf32, #tpu.memory_space<vmem>>) target(%dma_start3A_251 : memref<10112x128xf32, #tpu.memory_space<vmem_shared>>) offsets(%dma_start3A_248 : memref<128xi32, #tpu.memory_space<vmem>>) semaphore(%run_scoped3A_245 : memref<!tpu.dma_semaphore, #tpu.memory_space<semaphore_mem>>) {add = true}
        %dma_wait3A_252 = arith.constant 0 : i32
        %dma_wait3A_253 = tpu.memref_slice %arg8[%run_scoped3A_229, %dma_wait3A_252] : memref<8x128xi32, #tpu.memory_space<vmem>> -> memref<1x128xi32, #tpu.memory_space<vmem>>
        %dma_wait3A_254 = tpu.memref_squeeze %dma_wait3A_253 : memref<1x128xi32, #tpu.memory_space<vmem>> -> memref<128xi32, #tpu.memory_space<vmem>>
        %dma_wait3A_255 = arith.constant 0 : i32
        %dma_wait3A_256 = arith.constant 0 : i32
        %dma_wait3A_257 = tpu.memref_slice %arg11[%dma_wait3A_255, %dma_wait3A_256] : memref<10112x128xf32, #tpu.memory_space<vmem_shared>> -> memref<10112x128xf32, #tpu.memory_space<vmem_shared>>
        tpu.wait_indirect_dma semaphore(%run_scoped3A_245 : memref<!tpu.dma_semaphore, #tpu.memory_space<semaphore_mem>>) src(%arg10 : memref<128x128xf32, #tpu.memory_space<vmem>>) dst(%dma_wait3A_257 : memref<10112x128xf32, #tpu.memory_space<vmem_shared>>)
        tpu.yield
      }) : () -> ()
      %add3A_230 = arith.constant 4 : i32
      %add3A_231 = arith.addi %add3A_206, %add3A_230 : i32
      %lt3A_232 = arith.constant 80 : i32
      %lt3A_233 = arith.cmpi slt, %add3A_231, %lt3A_232 : i32
      %convert_element_type3A_234 = arith.extui %lt3A_233 : i1 to i32
      %cond3A_235 = arith.constant 0 : i32
      %cond3A_236 = arith.cmpi ne, %convert_element_type3A_234, %cond3A_235 : i32
      scf.if %cond3A_236 {
        %add3A_245 = arith.constant 4 : i32
        %add3A_246 = arith.addi %add3A_206, %add3A_245 : i32
        %dma_start3A_247 = arith.constant 3 : i32
        %dma_start3A_248 = arith.constant 0 : i32
        %dma_start3A_249 = tpu.memref_slice %arg8[%dma_start3A_247, %dma_start3A_248] : memref<8x128xi32, #tpu.memory_space<vmem>> -> memref<1x128xi32, #tpu.memory_space<vmem>>
        %dma_start3A_250 = tpu.memref_squeeze %dma_start3A_249 : memref<1x128xi32, #tpu.memory_space<vmem>> -> memref<128xi32, #tpu.memory_space<vmem>>
        %dma_start3A_251 = arith.constant 0 : i32
        %dma_start3A_252 = tpu.memref_slice %arg4[%add3A, %add3A_246, %dma_start3A_251] : memref<32x80x128xi32, #tpu.memory_space<hbm>> -> memref<1x1x128xi32, #tpu.memory_space<hbm>>
        %dma_start3A_253 = tpu.memref_squeeze %dma_start3A_252 : memref<1x1x128xi32, #tpu.memory_space<hbm>> -> memref<128xi32, #tpu.memory_space<hbm>>
        %dma_start3A_254 = arith.constant 0 : i32
        %dma_start3A_255 = tpu.memref_slice %arg8[%dma_start3A_247, %dma_start3A_254] : memref<8x128xi32, #tpu.memory_space<vmem>> -> memref<1x128xi32, #tpu.memory_space<vmem>>
        %dma_start3A_256 = tpu.memref_squeeze %dma_start3A_255 : memref<1x128xi32, #tpu.memory_space<vmem>> -> memref<128xi32, #tpu.memory_space<vmem>>
        %dma_start3A_257 = arith.constant 0 : i32
        %dma_start3A_258 = tpu.memref_slice %arg4[%add3A, %add3A_246, %dma_start3A_257] : memref<32x80x128xi32, #tpu.memory_space<hbm>> -> memref<1x1x128xi32, #tpu.memory_space<hbm>>
        %dma_start3A_259 = tpu.memref_squeeze %dma_start3A_258 : memref<1x1x128xi32, #tpu.memory_space<hbm>> -> memref<128xi32, #tpu.memory_space<hbm>>
        tpu.enqueue_dma source(%dma_start3A_259 : memref<128xi32, #tpu.memory_space<hbm>>) target(%dma_start3A_256 : memref<128xi32, #tpu.memory_space<vmem>>) target_semaphore(%arg17 : memref<!tpu.dma_semaphore, #tpu.memory_space<semaphore_mem>>)
      } else {
      }
      %add3A_237 = arith.constant 2 : i32
      %add3A_238 = arith.addi %add3A_206, %add3A_237 : i32
      %lt3A_239 = arith.constant 80 : i32
      %lt3A_240 = arith.cmpi slt, %add3A_238, %lt3A_239 : i32
      %convert_element_type3A_241 = arith.extui %lt3A_240 : i1 to i32
      %cond3A_242 = arith.constant 0 : i32
      %cond3A_243 = arith.cmpi ne, %convert_element_type3A_241, %cond3A_242 : i32
      scf.if %cond3A_243 {
        %add3A_245 = arith.constant 2 : i32
        %add3A_246 = arith.addi %add3A_206, %add3A_245 : i32
        %dma_start3A_247 = arith.constant 0 : i32
        %dma_start3A_248 = tpu.memref_slice %arg7[%add3A_246, %dma_start3A_247] : memref<80x128xi32, #tpu.memory_space<vmem>> -> memref<1x128xi32, #tpu.memory_space<vmem>>
        %dma_start3A_249 = tpu.memref_squeeze %dma_start3A_248 : memref<1x128xi32, #tpu.memory_space<vmem>> -> memref<128xi32, #tpu.memory_space<vmem>>
        %dma_start3A_250 = arith.constant 0 : i32
        %dma_start3A_251 = arith.constant 0 : i32
        %dma_start3A_252 = tpu.memref_slice %arg2[%dma_start3A_250, %dma_start3A_251] : memref<10000x128xf32, #tpu.memory_space<hbm>> -> memref<10000x128xf32, #tpu.memory_space<hbm>>
        tpu.enqueue_indirect_dma source(%dma_start3A_252 : memref<10000x128xf32, #tpu.memory_space<hbm>>) target(%arg10 : memref<128x128xf32, #tpu.memory_space<vmem>>) offsets(%dma_start3A_249 : memref<128xi32, #tpu.memory_space<vmem>>) semaphore(%arg13 : memref<!tpu.dma_semaphore, #tpu.memory_space<semaphore_mem>>)
      } else {
      }
      %scan3A_244 = arith.constant 0 : i32
      scf.yield %scan3A_244 : i32
    }
    %scan3A_77 = arith.constant 20 : i32
    %barrier3A_78 = arith.constant 0 : index
    tpu.barrier barrier_id(%barrier3A_78)
    %mul3A_79 = arith.constant 632 : i32
    %mul3A_80 = arith.muli %arg1, %mul3A_79 : i32
    %mul3A_81 = arith.constant 632 : i32
    %mul3A_82 = arith.muli %arg1, %mul3A_81 : i32
    "tpu.region"() ({
      %run_scoped3A = tpu.sem_alloc : memref<!tpu.dma_semaphore, #tpu.memory_space<semaphore_mem>>
      %dma_start3A_83 = arith.constant 0 : i32
      %dma_start3A_84 = tpu.memref_slice %arg6[%arg0, %mul3A_82, %dma_start3A_83] : memref<2x10112x128xf32, #tpu.memory_space<hbm>> -> memref<1x632x128xf32, #tpu.memory_space<hbm>>
      %dma_start3A_85 = tpu.memref_squeeze %dma_start3A_84 : memref<1x632x128xf32, #tpu.memory_space<hbm>> -> memref<632x128xf32, #tpu.memory_space<hbm>>
      %dma_start3A_86 = arith.constant 0 : i32
      %dma_start3A_87 = tpu.memref_slice %arg11[%mul3A_80, %dma_start3A_86] : memref<10112x128xf32, #tpu.memory_space<vmem_shared>> -> memref<632x128xf32, #tpu.memory_space<vmem_shared>>
      tpu.enqueue_dma source(%dma_start3A_87 : memref<632x128xf32, #tpu.memory_space<vmem_shared>>) target(%dma_start3A_85 : memref<632x128xf32, #tpu.memory_space<hbm>>) target_semaphore(%run_scoped3A : memref<!tpu.dma_semaphore, #tpu.memory_space<semaphore_mem>>)
      %dma_wait3A = arith.constant 0 : i32
      %dma_wait3A_88 = tpu.memref_slice %arg6[%arg0, %mul3A_82, %dma_wait3A] : memref<2x10112x128xf32, #tpu.memory_space<hbm>> -> memref<1x632x128xf32, #tpu.memory_space<hbm>>
      %dma_wait3A_89 = tpu.memref_squeeze %dma_wait3A_88 : memref<1x632x128xf32, #tpu.memory_space<hbm>> -> memref<632x128xf32, #tpu.memory_space<hbm>>
      %dma_wait3A_90 = arith.constant 0 : i32
      %dma_wait3A_91 = tpu.memref_slice %arg11[%mul3A_80, %dma_wait3A_90] : memref<10112x128xf32, #tpu.memory_space<vmem_shared>> -> memref<632x128xf32, #tpu.memory_space<vmem_shared>>
      tpu.wait_dma2 semaphore(%run_scoped3A : memref<!tpu.dma_semaphore, #tpu.memory_space<semaphore_mem>>) src(%dma_wait3A_91 : memref<632x128xf32, #tpu.memory_space<vmem_shared>>) dst(%dma_wait3A_89 : memref<632x128xf32, #tpu.memory_space<hbm>>)
      tpu.yield
    }) : () -> ()
    return
  }
}

module attributes {stable_mosaic.version = 14 : i64} {
  func.func @_mm_body(%arg0: i32, %arg1: memref<1000x128xf32, #tpu.memory_space<vmem>>, %arg2: memref<128x128xf32, #tpu.memory_space<vmem>>, %arg3: memref<1000x128xf32, #tpu.memory_space<vmem>>) attributes {dimension_semantics = [#tpu.dimension_semantics<arbitrary>], iteration_bounds = array<i64: 10>, scalar_prefetch = 0 : i64, scratch_operands = 0 : i64, tpu.core_type = #tpu.core_type<tc>, window_params = [{transform_indices = @transform_0, window_bounds = array<i64: 1000, 128>}, {pipeline_mode = #tpu.pipeline_mode<synchronous>, transform_indices = @transform_1, window_bounds = array<i64: 128, 128>}, {transform_indices = @transform_2, window_bounds = array<i64: 1000, 128>}]} {
    %get3A = arith.constant 0 : index
    %get3A_0 = arith.constant 0 : index
    %get3A_1 = vector.load %arg1[%get3A, %get3A_0] : memref<1000x128xf32, #tpu.memory_space<vmem>>, vector<1000x128xf32>
    %get3A_2 = arith.constant 0 : index
    %get3A_3 = arith.constant 0 : index
    %get3A_4 = vector.load %arg2[%get3A_2, %get3A_3] : memref<128x128xf32, #tpu.memory_space<vmem>>, vector<128x128xf32>
    %dot_general3A = arith.constant dense<0.000000e+00> : vector<1000x128xf32>
    %dot_general3A_5 = tpu.matmul %get3A_1, %get3A_4, %dot_general3A {dimension_numbers = #tpu.dot_dimension_numbers<[1], [0], [0], [1], [0, 0, 1, 1], [], []>, transpose_lhs_hint = false} : vector<1000x128xf32>, vector<128x128xf32>, vector<1000x128xf32> -> vector<1000x128xf32>
    %swap3A = arith.constant 0 : index
    %swap3A_6 = arith.constant 0 : index
    %swap3A_7 = vector.load %arg3[%swap3A, %swap3A_6] : memref<1000x128xf32, #tpu.memory_space<vmem>>, vector<1000x128xf32>
    tpu.vector_store %arg3[%swap3A, %swap3A_6], %dot_general3A_5 {strides = array<i32>} : memref<1000x128xf32, #tpu.memory_space<vmem>>, vector<1000x128xf32>,
    return
  }
  func.func @transform_0(%arg0: i32) -> (i32, i32) {
    %c0_i32 = arith.constant 0 : i32
    %c0_i32_0 = arith.constant 0 : i32
    return %arg0, %c0_i32 : i32, i32
  }
  func.func @transform_1(%arg0: i32) -> (i32, i32) {
    %c0_i32 = arith.constant 0 : i32
    %c0_i32_0 = arith.constant 0 : i32
    %c0_i32_1 = arith.constant 0 : i32
    return %c0_i32, %c0_i32_0 : i32, i32
  }
  func.func @transform_2(%arg0: i32) -> (i32, i32) {
    %c0_i32 = arith.constant 0 : i32
    %c0_i32_0 = arith.constant 0 : i32
    return %arg0, %c0_i32 : i32, i32
  }
}

module attributes {stable_mosaic.version = 14 : i64} {
  func.func @_mid_body(%arg0: i32, %arg1: memref<2x1000x128xf32, #tpu.memory_space<vmem>>, %arg2: memref<1000x128xf32, #tpu.memory_space<vmem>>, %arg3: memref<1x128xf32, #tpu.memory_space<vmem>>, %arg4: memref<128x128xf32, #tpu.memory_space<vmem>>, %arg5: memref<1x128xf32, #tpu.memory_space<vmem>>, %arg6: memref<128x128xf32, #tpu.memory_space<vmem>>, %arg7: memref<1000x128xf32, #tpu.memory_space<vmem>>) attributes {dimension_semantics = [#tpu.dimension_semantics<arbitrary>], iteration_bounds = array<i64: 10>, scalar_prefetch = 0 : i64, scratch_operands = 0 : i64, tpu.core_type = #tpu.core_type<tc>, window_params = [{transform_indices = @transform_0, window_bounds = array<i64: 2, 1000, 128>}, {transform_indices = @transform_1, window_bounds = array<i64: 1000, 128>}, {pipeline_mode = #tpu.pipeline_mode<synchronous>, transform_indices = @transform_2, window_bounds = array<i64: 1, 128>}, {pipeline_mode = #tpu.pipeline_mode<synchronous>, transform_indices = @transform_3, window_bounds = array<i64: 128, 128>}, {pipeline_mode = #tpu.pipeline_mode<synchronous>, transform_indices = @transform_4, window_bounds = array<i64: 1, 128>}, {pipeline_mode = #tpu.pipeline_mode<synchronous>, transform_indices = @transform_5, window_bounds = array<i64: 128, 128>}, {transform_indices = @transform_6, window_bounds = array<i64: 1000, 128>}]} {
    %get3A = arith.constant 0 : index
    %get3A_0 = arith.constant 0 : index
    %get3A_1 = arith.constant 0 : index
    %get3A_2 = vector.load %arg1[%get3A, %get3A_0, %get3A_1] : memref<2x1000x128xf32, #tpu.memory_space<vmem>>, vector<1x1000x128xf32>
    %get3A_3 = vector.shape_cast %get3A_2 : vector<1x1000x128xf32> to vector<1000x128xf32>
    %get3A_4 = arith.constant 1 : index
    %get3A_5 = arith.constant 0 : index
    %get3A_6 = arith.constant 0 : index
    %get3A_7 = vector.load %arg1[%get3A_4, %get3A_5, %get3A_6] : memref<2x1000x128xf32, #tpu.memory_space<vmem>>, vector<1x1000x128xf32>
    %get3A_8 = vector.shape_cast %get3A_7 : vector<1x1000x128xf32> to vector<1000x128xf32>
    %add3A = arith.addf %get3A_3, %get3A_8 : vector<1000x128xf32>
    %get3A_9 = arith.constant 0 : index
    %get3A_10 = arith.constant 0 : index
    %get3A_11 = vector.load %arg2[%get3A_9, %get3A_10] : memref<1000x128xf32, #tpu.memory_space<vmem>>, vector<1000x128xf32>
    %add3A_12 = arith.addf %add3A, %get3A_11 : vector<1000x128xf32>
    %get3A_13 = arith.constant 0 : index
    %get3A_14 = arith.constant 0 : index
    %get3A_15 = vector.load %arg3[%get3A_13, %get3A_14] : memref<1x128xf32, #tpu.memory_space<vmem>>, vector<1x128xf32>
    %add3A_16 = vector.broadcast %get3A_15 : vector<1x128xf32> to vector<1000x128xf32>
    %add3A_17 = arith.addf %add3A_12, %add3A_16 : vector<1000x128xf32>
    %max3A = arith.constant 0.000000e+00 : f32
    %max3A_18 = vector.broadcast %max3A : f32 to vector<1000x128xf32>
    %max3A_19 = arith.maximumf %add3A_17, %max3A_18 : vector<1000x128xf32>
    %get3A_20 = arith.constant 0 : index
    %get3A_21 = arith.constant 0 : index
    %get3A_22 = vector.load %arg4[%get3A_20, %get3A_21] : memref<128x128xf32, #tpu.memory_space<vmem>>, vector<128x128xf32>
    %dot_general3A = arith.constant dense<0.000000e+00> : vector<1000x128xf32>
    %dot_general3A_23 = tpu.matmul %max3A_19, %get3A_22, %dot_general3A {dimension_numbers = #tpu.dot_dimension_numbers<[1], [0], [0], [1], [0, 0, 1, 1], [], []>, transpose_lhs_hint = false} : vector<1000x128xf32>, vector<128x128xf32>, vector<1000x128xf32> -> vector<1000x128xf32>
    %get3A_24 = arith.constant 0 : index
    %get3A_25 = arith.constant 0 : index
    %get3A_26 = vector.load %arg5[%get3A_24, %get3A_25] : memref<1x128xf32, #tpu.memory_space<vmem>>, vector<1x128xf32>
    %add3A_27 = vector.broadcast %get3A_26 : vector<1x128xf32> to vector<1000x128xf32>
    %add3A_28 = arith.addf %dot_general3A_23, %add3A_27 : vector<1000x128xf32>
    %get3A_29 = arith.constant 0 : index
    %get3A_30 = arith.constant 0 : index
    %get3A_31 = vector.load %arg6[%get3A_29, %get3A_30] : memref<128x128xf32, #tpu.memory_space<vmem>>, vector<128x128xf32>
    %dot_general3A_32 = arith.constant dense<0.000000e+00> : vector<1000x128xf32>
    %dot_general3A_33 = tpu.matmul %add3A_28, %get3A_31, %dot_general3A_32 {dimension_numbers = #tpu.dot_dimension_numbers<[1], [0], [0], [1], [0, 0, 1, 1], [], []>, transpose_lhs_hint = false} : vector<1000x128xf32>, vector<128x128xf32>, vector<1000x128xf32> -> vector<1000x128xf32>
    %swap3A = arith.constant 0 : index
    %swap3A_34 = arith.constant 0 : index
    %swap3A_35 = vector.load %arg7[%swap3A, %swap3A_34] : memref<1000x128xf32, #tpu.memory_space<vmem>>, vector<1000x128xf32>
    tpu.vector_store %arg7[%swap3A, %swap3A_34], %dot_general3A_33 {strides = array<i32>} : memref<1000x128xf32, #tpu.memory_space<vmem>>, vector<1000x128xf32>,
    return
  }
  func.func @transform_0(%arg0: i32) -> (i32, i32, i32) {
    %c0_i32 = arith.constant 0 : i32
    %c0_i32_0 = arith.constant 0 : i32
    %c0_i32_1 = arith.constant 0 : i32
    return %c0_i32, %arg0, %c0_i32_0 : i32, i32, i32
  }
  func.func @transform_1(%arg0: i32) -> (i32, i32) {
    %c0_i32 = arith.constant 0 : i32
    %c0_i32_0 = arith.constant 0 : i32
    return %arg0, %c0_i32 : i32, i32
  }
  func.func @transform_2(%arg0: i32) -> (i32, i32) {
    %c0_i32 = arith.constant 0 : i32
    %c0_i32_0 = arith.constant 0 : i32
    %c0_i32_1 = arith.constant 0 : i32
    return %c0_i32, %c0_i32_0 : i32, i32
  }
  func.func @transform_3(%arg0: i32) -> (i32, i32) {
    %c0_i32 = arith.constant 0 : i32
    %c0_i32_0 = arith.constant 0 : i32
    %c0_i32_1 = arith.constant 0 : i32
    return %c0_i32, %c0_i32_0 : i32, i32
  }
  func.func @transform_4(%arg0: i32) -> (i32, i32) {
    %c0_i32 = arith.constant 0 : i32
    %c0_i32_0 = arith.constant 0 : i32
    %c0_i32_1 = arith.constant 0 : i32
    return %c0_i32, %c0_i32_0 : i32, i32
  }
  func.func @transform_5(%arg0: i32) -> (i32, i32) {
    %c0_i32 = arith.constant 0 : i32
    %c0_i32_0 = arith.constant 0 : i32
    %c0_i32_1 = arith.constant 0 : i32
    return %c0_i32, %c0_i32_0 : i32, i32
  }
  func.func @transform_6(%arg0: i32) -> (i32, i32) {
    %c0_i32 = arith.constant 0 : i32
    %c0_i32_0 = arith.constant 0 : i32
    return %arg0, %c0_i32 : i32, i32
  }
}

module attributes {stable_mosaic.version = 14 : i64} {
  func.func @_final_body(%arg0: i32, %arg1: memref<2x1000x128xf32, #tpu.memory_space<vmem>>, %arg2: memref<1000x128xf32, #tpu.memory_space<vmem>>, %arg3: memref<1x128xf32, #tpu.memory_space<vmem>>, %arg4: memref<128x128xf32, #tpu.memory_space<vmem>>, %arg5: memref<1x128xf32, #tpu.memory_space<vmem>>, %arg6: memref<1000x128xf32, #tpu.memory_space<vmem>>) attributes {dimension_semantics = [#tpu.dimension_semantics<arbitrary>], iteration_bounds = array<i64: 10>, scalar_prefetch = 0 : i64, scratch_operands = 0 : i64, tpu.core_type = #tpu.core_type<tc>, window_params = [{transform_indices = @transform_0, window_bounds = array<i64: 2, 1000, 128>}, {transform_indices = @transform_1, window_bounds = array<i64: 1000, 128>}, {pipeline_mode = #tpu.pipeline_mode<synchronous>, transform_indices = @transform_2, window_bounds = array<i64: 1, 128>}, {pipeline_mode = #tpu.pipeline_mode<synchronous>, transform_indices = @transform_3, window_bounds = array<i64: 128, 128>}, {pipeline_mode = #tpu.pipeline_mode<synchronous>, transform_indices = @transform_4, window_bounds = array<i64: 1, 128>}, {transform_indices = @transform_5, window_bounds = array<i64: 1000, 128>}]} {
    %get3A = arith.constant 0 : index
    %get3A_0 = arith.constant 0 : index
    %get3A_1 = arith.constant 0 : index
    %get3A_2 = vector.load %arg1[%get3A, %get3A_0, %get3A_1] : memref<2x1000x128xf32, #tpu.memory_space<vmem>>, vector<1x1000x128xf32>
    %get3A_3 = vector.shape_cast %get3A_2 : vector<1x1000x128xf32> to vector<1000x128xf32>
    %get3A_4 = arith.constant 1 : index
    %get3A_5 = arith.constant 0 : index
    %get3A_6 = arith.constant 0 : index
    %get3A_7 = vector.load %arg1[%get3A_4, %get3A_5, %get3A_6] : memref<2x1000x128xf32, #tpu.memory_space<vmem>>, vector<1x1000x128xf32>
    %get3A_8 = vector.shape_cast %get3A_7 : vector<1x1000x128xf32> to vector<1000x128xf32>
    %add3A = arith.addf %get3A_3, %get3A_8 : vector<1000x128xf32>
    %get3A_9 = arith.constant 0 : index
    %get3A_10 = arith.constant 0 : index
    %get3A_11 = vector.load %arg2[%get3A_9, %get3A_10] : memref<1000x128xf32, #tpu.memory_space<vmem>>, vector<1000x128xf32>
    %add3A_12 = arith.addf %add3A, %get3A_11 : vector<1000x128xf32>
    %get3A_13 = arith.constant 0 : index
    %get3A_14 = arith.constant 0 : index
    %get3A_15 = vector.load %arg3[%get3A_13, %get3A_14] : memref<1x128xf32, #tpu.memory_space<vmem>>, vector<1x128xf32>
    %add3A_16 = vector.broadcast %get3A_15 : vector<1x128xf32> to vector<1000x128xf32>
    %add3A_17 = arith.addf %add3A_12, %add3A_16 : vector<1000x128xf32>
    %get3A_18 = arith.constant 0 : index
    %get3A_19 = arith.constant 0 : index
    %get3A_20 = vector.load %arg4[%get3A_18, %get3A_19] : memref<128x128xf32, #tpu.memory_space<vmem>>, vector<128x128xf32>
    %dot_general3A = arith.constant dense<0.000000e+00> : vector<1000x128xf32>
    %dot_general3A_21 = tpu.matmul %add3A_17, %get3A_20, %dot_general3A {dimension_numbers = #tpu.dot_dimension_numbers<[1], [0], [0], [1], [0, 0, 1, 1], [], []>, transpose_lhs_hint = false} : vector<1000x128xf32>, vector<128x128xf32>, vector<1000x128xf32> -> vector<1000x128xf32>
    %get3A_22 = arith.constant 0 : index
    %get3A_23 = arith.constant 0 : index
    %get3A_24 = vector.load %arg5[%get3A_22, %get3A_23] : memref<1x128xf32, #tpu.memory_space<vmem>>, vector<1x128xf32>
    %add3A_25 = vector.broadcast %get3A_24 : vector<1x128xf32> to vector<1000x128xf32>
    %add3A_26 = arith.addf %dot_general3A_21, %add3A_25 : vector<1000x128xf32>
    %reduce_max3A = arith.constant dense<0xFF800000> : vector<1000xf32>
    %reduce_max3A_27 = vector.multi_reduction <maximumf>, %add3A_26, %reduce_max3A [1] : vector<1000x128xf32> to vector<1000xf32>
    %broadcast_in_dim3A = vector.shape_cast %reduce_max3A_27 : vector<1000xf32> to vector<1000x1xf32>
    %sub3A = vector.broadcast %broadcast_in_dim3A : vector<1000x1xf32> to vector<1000x128xf32>
    %sub3A_28 = arith.subf %add3A_26, %sub3A : vector<1000x128xf32>
    %exp3A = math.exp %sub3A_28 : vector<1000x128xf32>
    %reduce_sum3A = arith.constant dense<0.000000e+00> : vector<1000xf32>
    %reduce_sum3A_29 = vector.multi_reduction <add>, %exp3A, %reduce_sum3A [1] : vector<1000x128xf32> to vector<1000xf32>
    %broadcast_in_dim3A_30 = vector.shape_cast %reduce_sum3A_29 : vector<1000xf32> to vector<1000x1xf32>
    %log3A = math.log %broadcast_in_dim3A_30 : vector<1000x1xf32>
    %sub3A_31 = vector.broadcast %log3A : vector<1000x1xf32> to vector<1000x128xf32>
    %sub3A_32 = arith.subf %sub3A_28, %sub3A_31 : vector<1000x128xf32>
    %swap3A = arith.constant 0 : index
    %swap3A_33 = arith.constant 0 : index
    %swap3A_34 = vector.load %arg6[%swap3A, %swap3A_33] : memref<1000x128xf32, #tpu.memory_space<vmem>>, vector<1000x128xf32>
    tpu.vector_store %arg6[%swap3A, %swap3A_33], %sub3A_32 {strides = array<i32>} : memref<1000x128xf32, #tpu.memory_space<vmem>>, vector<1000x128xf32>,
    return
  }
  func.func @transform_0(%arg0: i32) -> (i32, i32, i32) {
    %c0_i32 = arith.constant 0 : i32
    %c0_i32_0 = arith.constant 0 : i32
    %c0_i32_1 = arith.constant 0 : i32
    return %c0_i32, %arg0, %c0_i32_0 : i32, i32, i32
  }
  func.func @transform_1(%arg0: i32) -> (i32, i32) {
    %c0_i32 = arith.constant 0 : i32
    %c0_i32_0 = arith.constant 0 : i32
    return %arg0, %c0_i32 : i32, i32
  }
  func.func @transform_2(%arg0: i32) -> (i32, i32) {
    %c0_i32 = arith.constant 0 : i32
    %c0_i32_0 = arith.constant 0 : i32
    %c0_i32_1 = arith.constant 0 : i32
    return %c0_i32, %c0_i32_0 : i32, i32
  }
  func.func @transform_3(%arg0: i32) -> (i32, i32) {
    %c0_i32 = arith.constant 0 : i32
    %c0_i32_0 = arith.constant 0 : i32
    %c0_i32_1 = arith.constant 0 : i32
    return %c0_i32, %c0_i32_0 : i32, i32
  }
  func.func @transform_4(%arg0: i32) -> (i32, i32) {
    %c0_i32 = arith.constant 0 : i32
    %c0_i32_0 = arith.constant 0 : i32
    %c0_i32_1 = arith.constant 0 : i32
    return %c0_i32, %c0_i32_0 : i32, i32
  }
  func.func @transform_5(%arg0: i32) -> (i32, i32) {
    %c0_i32 = arith.constant 0 : i32
    %c0_i32_0 = arith.constant 0 : i32
    return %arg0, %c0_i32 : i32, i32
  }
}

</mosaic_0001>

<sc_bundles>
// kernel: kernel.10.cloned.1.call-start
scs
__scs_entry_jumppad:
0x0: {  	(pc) =	sbr.rel $0x88, $3  }
0x1: {  	(tag) =	ssettag $0x0;
	lr =	simm.s32 $0x1  }
0x2: {  	[smem:$0x3F97] =	sst lr;
	_ =	strace $0xD0000000  }
0x3: {  	_ = 	snop  }
0x4: {  	_ = 	snop  }
0x5: {  	_ = 	snop  }
0x6: {  	_ = 	snop  }
0x7: {  	_ = 	snop  }
__scs_overlays_trampoline_lowered:
0x8: {  	[smem:$0x3FA6] =	sst s0  }
0x9: {  	[smem:$0x3FA7] =	sst s1  }
0xa: {  	[smem:$0x3FA8] =	sst s2  }
0xb: {  	[smem:$0x3FA9] =	sst s3  }
0xc: {  	[smem:$0x3FAA] =	sst s4  }
0xd: {  	[smem:$0x3FAB] =	sst s5  }
0xe: {  	[smem:$0x3FAC] =	sst s6  }
0xf: {  	[smem:$0x3FAD] =	sst s7  }
0x10: {  	[smem:$0x3FAE] =	sst s8  }
0x11: {  	[smem:$0x3FAF] =	sst s9;
	s0 =	simm.s32 @!p0 $0x0  }
0x12: {  	s1 =	sld [smem:$0x3F95];
	s0 =	simm.s32 @p0 $0x1  }
0x13: {  	[smem:$0x3FB0] =	sst s0;
	s0 =	simm.s32 @!p1 $0x0  }
0x14: {  	s2 =	sld [smem:$0x3F94];
	s0 =	simm.s32 @p1 $0x1  }
0x15: {  	[smem:$0x3FB1] =	sst s0;
	s0 =	simm.s32 @!p2 $0x0  }
0x16: {  	s3 =	sld [smem:$0x3FDB];
	s0 =	simm.s32 @p2 $0x1  }
0x17: {  	s4 =	simm.s32 $0x1BF5;
	[smem:$0x3FB3] =	sst s0  }
0x18: {  	s0 =	sld [smem:$0x3F96];
	_ =	swait.ge [sflag:s4], $0x0  }
0x19: {  	s7 =	sld [smem:$0x3F97]  }
0x1a: {  	s8 =	sadd.s32 $0xFFFFE003, lr  }
0x1b: {  	s9 =	sadd.s32 $0xFFFFFEF7, lr;
	s5 =	simm.s32 $0xFFFFFFFF;
	p2 =	slt.u32 s8, $0xFFFFF086  }
0x1c: {  	p1 =	slt.u32 s9, $0xF7A;
	s5 =	simm.s32 @!p2 $0x0  }
0x1d: {  	s5 =	simm.s32 @p1 $0x1;
	p0 =	seq.s32 s7, s2  }
0x1e: {  	s7 =	smul.u32 @!p0 $0xF7A, s2;
	p2 =	seq.s32 @!p0 s5, $0x0  }
0x1f: {  	s9 =	smul.u32 $0xF7A, s1;
	s8 =	simm.s32 @!p0 $0x1BF5;
	p2 =	por !p2, p0  }
0x20: {  	[sflag:s8] =	ssyncset.s32 @!p0 $0xFFFFF086;
	s6 =	sadd.s32 @!p0 s3, s7;
	s7 =	simm.s32 @!p0 $0x108  }
0x21: {  	s3 =	sadd.s32 s3, s9;
	s6 =	sadd.s32 @!p0 $0x88, s6;
	s7 =	simm.s32 @p2 $0x1082  }
0x22: {  	[simem:s7], [sflag:s8] =	dma.local @!p0 [hbm:s6], $0xF7A  }
0x23: {  	s9 =	sor.u32 $0xD0000000, s2;
	s6 =	simm.s32 $0x108;
	_ =	swait.ge @!p0 [sflag:s8], $0x0  }
0x24: {  	s3 =	sadd.s32 $0x88, s3;
	s6 =	simm.s32 @!p1 $0x1082;
	[sflag:s4] =	ssyncset.s32 $0xFFFFF086  }
0x25: {  	[simem:s6], [sflag:s4] =	dma.local [hbm:s3], $0xF7A  }
0x26: {  	[smem:$0x3F97] =	sst s1;
	(tag) =	ssettag s2;
	_ =	strace s9  }
0x27: {  	s1 =	sld [smem:$0x3FA7]  }
0x28: {  	s2 =	sld [smem:$0x3FA8]  }
0x29: {  	s4 =	sld [smem:$0x3FAA]  }
0x2a: {  	p0 =	seq.s32 s5, $0x0;
	s5 =	sld [smem:$0x3FAB]  }
0x2b: {  	s6 =	sld [smem:$0x3FAC]  }
0x2c: {  	s7 =	sld [smem:$0x3FAD]  }
0x2d: {  	s3 =	simm.s32 $0x108;
	s8 =	sld [smem:$0x3FAE]  }
0x2e: {  	s3 =	simm.s32 @!p0 $0x1082;
	s9 =	sld [smem:$0x3FAF]  }
0x2f: {  	lr =	sadd.s32 s0, s3;
	s0 =	sld [smem:$0x3FA6]  }
0x30: {  	s3 =	sld [smem:$0x3FA9]  }
0x31: {  	[smem:$0x3FB2] =	sst s10  }
0x32: {  	s10 =	sld [smem:$0x3FB0];
	_ =	sdelay $0x3  }
0x33: {  	p0 =	seq.s32 s10, $0x1;
	s10 =	sld [smem:$0x3FB2];
	_ =	sdelay $0x3  }
0x34: {  	[smem:$0x3FB2] =	sst s10  }
0x35: {  	s10 =	sld [smem:$0x3FB1];
	_ =	sdelay $0x3  }
0x36: {  	p1 =	seq.s32 s10, $0x1;
	s10 =	sld [smem:$0x3FB2];
	_ =	sdelay $0x3  }
0x37: {  	[smem:$0x3FB2] =	sst s10  }
0x38: {  	s10 =	sld [smem:$0x3FB3]  }
0x39: {  	_ = 	snop;
	(pc) =	sbr.ind lr, $3  }
0x3a: {  	_ = 	snop  }
0x3b: {  	_ = 	snop  }
0x3c: {  	p2 =	seq.s32 s10, $0x1;
	s10 =	sld [smem:$0x3FB2]  }
0x3d: {  	_ =	shalt  }
0x3e: {  	_ =	shalt  }
0x3f: {  	_ =	shalt  }
0x40: {  	_ =	shalt  }
0x41: {  	_ =	shalt  }
0x42: {  	_ =	shalt  }
0x43: {  	_ =	shalt  }
0x44: {  	_ =	shalt  }
0x45: {  	_ =	shalt  }
0x46: {  	_ =	shalt  }
0x47: {  	_ =	shalt  }
0x48: {  	_ =	shalt  }
0x49: {  	_ =	shalt  }
0x4a: {  	_ =	shalt  }
0x4b: {  	_ =	shalt  }
0x4c: {  	_ =	shalt  }
0x4d: {  	_ =	shalt  }
0x4e: {  	_ =	shalt  }
0x4f: {  	_ =	shalt  }
0x50: {  	_ =	shalt  }
0x51: {  	_ =	shalt  }
0x52: {  	_ =	shalt  }
0x53: {  	_ =	shalt  }
0x54: {  	_ =	shalt  }
0x55: {  	_ =	shalt  }
0x56: {  	_ =	shalt  }
0x57: {  	_ =	shalt  }
0x58: {  	_ =	shalt  }
0x59: {  	_ =	shalt  }
0x5a: {  	_ =	shalt  }
0x5b: {  	_ =	shalt  }
0x5c: {  	_ =	shalt  }
0x5d: {  	_ =	shalt  }
0x5e: {  	_ =	shalt  }
0x5f: {  	_ =	shalt  }
0x60: {  	_ =	shalt  }
0x61: {  	_ =	shalt  }
0x62: {  	_ =	shalt  }
0x63: {  	_ =	shalt  }
0x64: {  	_ =	shalt  }
0x65: {  	_ =	shalt  }
0x66: {  	_ =	shalt  }
0x67: {  	_ =	shalt  }
0x68: {  	_ =	shalt  }
0x69: {  	_ =	shalt  }
0x6a: {  	_ =	shalt  }
0x6b: {  	_ =	shalt  }
0x6c: {  	_ =	shalt  }
0x6d: {  	_ =	shalt  }
0x6e: {  	_ =	shalt  }
0x6f: {  	_ =	shalt  }
0x70: {  	_ =	shalt  }
0x71: {  	_ =	shalt  }
0x72: {  	_ =	shalt  }
0x73: {  	_ =	shalt  }
0x74: {  	_ =	shalt  }
0x75: {  	_ =	shalt  }
0x76: {  	_ =	shalt  }
0x77: {  	_ =	shalt  }
0x78: {  	_ =	shalt  }
0x79: {  	_ =	shalt  }
0x7a: {  	_ =	shalt  }
0x7b: {  	_ =	shalt  }
0x7c: {  	_ =	shalt  }
0x7d: {  	_ =	shalt  }
0x7e: {  	_ =	shalt  }
0x7f: {  	_ =	shalt  }
0x80: {  	_ =	shalt  }
0x81: {  	_ =	shalt  }
0x82: {  	_ =	shalt  }
0x83: {  	_ =	shalt  }
0x84: {  	_ =	shalt  }
0x85: {  	_ =	shalt  }
0x86: {  	_ =	shalt  }
0x87: {  	_ =	shalt  }
.Lfunc_end0:
.L_simem_size_0:
called_computation.1_lowered:
.L_overlay_start_0:
0x88: {  	s2 =	sld [smem:$0x3FD9]  }
0x89: {  	s3 =	sld [smem:$0x3FFE];
	_ =	sdelay $0x1  }
0x8a: {  	s1 =	srdreg.scid  }
0x8b: {  	s0 =	sand.u32 $0x1, s1  }
0x8c: {  	s17 =	sshll.u32 s0, $0xA;
	s2 =	sadd.s32 s3, s2  }
0x8d: {  	s2 =	sadd.s32 s2, s17  }
0x8e: {  	[smem:$0x3FBE] =	sst s2  }
0x8f: {  	_ = 	snop  }
0x90: {  	s2 =	sld [smem:$0x3FD0];
	(tm) =	ssettm $0x1  }
0x91: {  	s18 =	sld [smem:$0x3FFB];
	_ =	sdelay $0x3  }
0x92: {  	_ =	strace s18  }
0x93: {  	s3 =	sld [smem:$0x3FFC];
	_ =	sdelay $0x3  }
0x94: {  	_ =	strace s3  }
0x95: {  	s3 =	sld [smem:$0x3FFD];
	_ =	sdelay $0x3  }
0x96: {  	_ =	strace s3  }
0x97: {  	_ =	strace $0x8FFFFFFF  }
0x98: {  	s19 =	sld [smem:$0x3FDB];
	_ =	sdelay $0x1  }
0x99: {  	s4 =	simm.s32 $_scs_section_size  }
0x9a: {  	s5 =	simm.s32 $_size__tile_overlayer_lowered;
	s6 =	simm.s32 $_tile_overlayer_lowered  }
0x9b: {  	s22 =	simm.s32 $0x1BFF;
	s21 =	sshll.u32 s6, $0x1;
	s3 =	sadd.s32 s4, s19  }
0x9c: {  	s7 =	simm.s32 $0x0;
	s20 =	sshll.u32 s5, $0x1;
	s5 =	sadd.s32 s21, s3  }
0x9d: {  	[timem:s7], [sflag:s22] =	dma.local [hbm:s5], s20  }
0x9e: {  	_ =	swait.ge [sflag:s22], s20  }
0x9f: {  	s4 =	ssub.s32 $0x0, s20;
	[sflag:s22] =	ssyncset.done $0x0  }
0xa0: {  	[sflag:s22] =	ssyncadd.s32 s4;
	_ =	sdelay $0x1  }
0xa1: {  	s23 =	simm.s32 $0x1B8B  }
0xa2: {  	_ =	swait.ge [sflag:s23], $0x1  }
0xa3: {  	[sflag:s23] =	ssyncset.done $0x0  }
0xa4: {  	s25 =	simm.s32 $0x1B8E;
	s24 =	sld [smem:$0x3FFE];
	[sflag:s23] =	ssyncadd.s32 $0xFFFFFFFF  }
0xa5: {  	s26 =	simm.s32 $execute0_lowered;
	[smem:$0x3FD2] =	sst s25  }
0xa6: {  	s5 =	sshll.u32 s26, $0x1;
	_ =	strace $0x80000049;
	[dreg:$0x1] =	wrdreg $0xFFFFFFFF  }
0xa7: {  	s28 =	simm.s32 $_size_execute0_lowered;
	s3 =	sadd.s32 s3, s5;
	[dreg:$0x0] =	wrdreg $0x0  }
0xa8: {  	s5 =	sshll.u32 s28, $0x1;
	[dreg:$0x2] =	wrdreg s3  }
0xa9: {  	[dreg:$0x3] =	wrdreg s5  }
0xaa: {  	[dreg:$0x4] =	wrdreg $0xC0  }
0xab: {  	_ =	task [dreg:s7], $0x5FFFF  }
0xac: {  	[dreg:$0x1] =	wrdreg $0xFFFFFFFF  }
0xad: {  	[dreg:$0x0] =	wrdreg $0x60  }
0xae: {  	[dreg:$0x2] =	wrdreg s2  }
0xaf: {  	[dreg:$0x3] =	wrdreg s24  }
0xb0: {  	[dreg:$0x4] =	wrdreg $0xAC000  }
0xb1: {  	[dreg:$0x5] =	wrdreg $0x9  }
0xb2: {  	_ =	task.clear_ibuf [dreg:s7], $0x6FFFF;
	_ =	strace $0x90000049  }
0xb3: {  	s29 =	simm.s32 $0x9;
	_ =	strace $0x8000004B  }
0xb4: {  	_ =	swait.ge [sflag:s29], $0x1  }
0xb5: {  	[sflag:s29] =	ssyncadd.s32 $0xFFFFFFFF  }
0xb6: {  	_ =	strace $0x9000004B  }
0xb7: {  	_ =	sfence  }
0xb8: {  	s30 =	sld [smem:$0x0];
	_ =	sdelay $0x2  }
0xb9: {  	s31 =	sshll.u32 s1, $0xD;
	s1 =	sshrl.u32 s1, $0x2  }
0xba: {  	s3 =	sand.u32 $0x4000, s31;
	s1 =	sadd.s32 s1, s30  }
0xbb: {  	s0 =	sor.u32 s3, s0;
	s1 =	sshll.u32 s1, $0x11  }
0xbc: {  	s0 =	sor.u32 s1, s0  }
0xbd: {  	s0 =	sadd.s32 $0x8F2B, s0  }
0xbe: {  	[sflag:s0] =	ssyncadd.remote.s32 $0x1  }
0xbf: {  	_ =	sfence.sel $0xFFFF  }
0xc0: {  	[dreg:$0x0] =	wrdreg $0xFFFFFFFF;
	(pc) =	sbr.abs _section_cstart, $3  }
0xc1: {  	[dreg:$0x1] =	wrdreg $0xFFFFFFFF  }
0xc2: {  	_ =	task.clear_ibuf [dreg:s7], $0x2FFFF;
	_ =	strace $0x9FFFFFFF  }
0xc3: {  	(tm) =	ssettm $0x7FFFFFFF  }
tec
execute0_lowered:
.L_overlay_start_1:
0x0: {  	(tag) =	ssettag $0x1  }
0x1: {  	s1 =	rddreg [dreg:$0x0]  }
0x2: {  	s0 =	srdreg.scid;
	s7 =	rddreg [dreg:$0x1]  }
0x3: {  	s11 =	stileid.u32;
	s3 =	rddreg [dreg:$0x2];
	s5 =	simm.s32 $0x0  }
0x4: {  	s17 =	simm.s32 $0x7;
	s18 =	simm.s32 $0x2800;
	s19 =	simm.s32 $0x2880  }
0x5: {  	s28 =	simm.s32 $0x2;
	s29 =	simm.s32 $0x4;
	s30 =	simm.s32 $0x5  }
0x6: {  	s31 =	simm.s32 $0x6;
	s0 =	sand.u32 $0x1, s0;
	s2 =	sshll.u32 s11, $0x1  }
0x7: {  	[smem:$0x7FF] =	sst s5;
	s8 =	smul.u32 $0x13C00, s11;
	s6 =	sadd.s32 $0x2A00, s7  }
0x8: {  	s21 =	smul.u32 $0x4F000, s11;
	s12 =	sadd.s32 $0x16A00, s7;
	s24 =	sshll.u32 s11, $0x6  }
0x9: {  	s2 =	sor.u32 s0, s2;
	s20 =	smul.u32 $0x13C000, s0;
	_ =	strace $0x8000004A  }
0xa: {  	[dreg:$0x4] =	wrdreg s12;
	s0 =	ssub.s32 $0x2, s0;
	s4 =	smul.u32 $0x2800, s2  }
0xb: {  	s22 =	sshrl.u32 s0, $0x1;
	s2 =	sadd.s32 s8, s20;
	s8 =	sshrl.u32 s21, $0x2  }
0xc: {  	s0 =	ssub.s32 s0, s22;
	s20 =	simm.s32 $0x2900;
	s21 =	simm.s32 $0x2980  }
0xd: {  	s22 =	simm.s32 $0x80;
	s10 =	sshrl.u32 s4, $0x3;
	s2 =	sshrl.u32 s2, $0x3  }
0xe: {  	s23 =	sadd.s32 s8, s3;
	s8 =	sor.u32 $0x1C07, s24;
	s15 =	smax.u32 s0, $0x1  }
0xf: {  	s24 =	simm.s32 $0x6C00;
	s9 =	sadd.s32 s10, s7;
	s2 =	sadd.s32 s2, s7  }
.Ltmp0:
0x10: {  	s10 =	sadd.s32 s6, s10;
	s16 =	sshrl.u32 s23, $0x3;
	(pc) =	sbr.rel .LBB2_1-.Ltmp0, $4  }
0x11: {  	s23 =	simm.s32 $0x2C00;
	s9 =	sadd.s32 $0xCA00, s9;
	s25 =	sadd.s32 $0x10, s10  }
0x12: {  	s26 =	sadd.s32 $0x20, s10;
	s13 =	sadd.s32 $0x30, s10;
	[dreg:$0x5] =	wrdreg s9  }
0x13: {  	s14 =	sadd.s32 $0x19200, s2;
	s2 =	simm.s32 $0x0;
	[dreg:$0x6] =	wrdreg s25  }
0x14: {  	[dreg:$0x7] =	wrdreg s26;
	s25 =	simm.s32 $0x1;
	s26 =	simm.s32 $0x3  }
.LBB2_4:
0x15: {  	_ =	swait.ge [sflag:s28], $0x4000  }
0x16: {  	[sflag:s28] =	ssyncset.done $0x0  }
0x17: {  	[sflag:s28] =	ssyncadd.s32 $0xFFFFC000  }
0x18: {  	_ =	swait.ge [sflag:s31], $0x80  }
0x19: {  	[sflag:s31] =	ssyncset.done $0x0  }
0x1a: {  	[sflag:s31] =	ssyncadd.s32 $0xFFFFFF80  }
0x1b: {  	[spmem:s3] =	stream.indirect.scatter.add.f32 [tilespmem:s24], [sflag:$0x7], $0x80, s21, s22, $0xb8;
	[tilespmem:$0x1E800] =	vst v63  }
0x1c: {  	_ =	swait.ge [sflag:s17], $0x4000  }
0x1d: {  	s2 =	sadd.s32 $0x1, s2;
	[sflag:s17] =	ssyncset.done $0x0  }
0x1e: {  	p0 =	sne.s32 s2, s15;
	[sflag:s17] =	ssyncadd.s32 $0xFFFFC000  }
.Ltmp1:
0x1f: {  	[bflag:$0x0] =	sbarrier.arrive $0xFFFF;
	(pc) =	sbr.rel @!p0 .LBB2_5-.Ltmp1, $4  }
0x20: {  	[hbm:s14], [sflag:s8] =	dma.local [spmem:s16], $0x2780  }
0x21: {  	_ =	swait.ge [sflag:s17], $0x2780  }
0x22: {  	[sflag:s17] =	ssyncset.done $0x0  }
0x23: {  	[sflag:s17] =	ssyncadd.s32 $0xFFFFD880  }
.LBB2_1:
0x24: {  	s0 =	rddreg [dreg:$0x4]  }
0x25: {  	[spmem:s16], [sflag:s8] =	dma.local [hbm:s0], $0x2780  }
0x26: {  	_ =	swait.ge [sflag:s17], $0x2780  }
0x27: {  	[sflag:s17] =	ssyncset.done $0x0  }
0x28: {  	s9 =	rddreg [dreg:$0x5];
	[sflag:s17] =	ssyncadd.s32 $0xFFFFD880  }
0x29: {  	[tilespmem:s5], [sflag:$0x7] =	stream.linear.gather [hbm4b:s9+s5], $0x2800, $0x38;
	[tilespmem:$0x1E800] =	vst v63  }
0x2a: {  	_ =	swait.ge [sflag:s17], $0x2800  }
0x2b: {  	[sflag:s17] =	ssyncset.done $0x0  }
0x2c: {  	[sflag:s17] =	ssyncadd.s32 $0xFFFFD800  }
0x2d: {  	[bflag:$0x0] =	sbarrier.arrive $0xFFFF  }
0x2e: {  	[tilespmem:s18], [sflag:$0x3] =	stream.linear.gather [hbm4b:s10+s5], $0x80, $0x38;
	[tilespmem:$0x1E800] =	vst v63  }
0x2f: {  	s11 =	rddreg [dreg:$0x6]  }
0x30: {  	[tilespmem:s19], [sflag:$0x4] =	stream.linear.gather [hbm4b:s11+s5], $0x80, $0x38;
	[tilespmem:$0x1E800] =	vst v63  }
0x31: {  	s12 =	rddreg [dreg:$0x7]  }
0x32: {  	[tilespmem:s20], [sflag:$0x5] =	stream.linear.gather [hbm4b:s12+s5], $0x80, $0x38;
	[tilespmem:$0x1E800] =	vst v63  }
0x33: {  	_ = 	snop  }
0x34: {  	[tilespmem:s21], [sflag:$0x6] =	stream.linear.gather [hbm4b:s13+s5], $0x80, $0x38;
	[tilespmem:$0x1E800] =	vst v63  }
0x35: {  	_ = 	snop  }
0x36: {  	[tilespmem:s23], [sflag:$0x1] =	stream.indirect.gather [hbm4b:s1+s22], $0x80, s5, s22, $0xb8;
	[tilespmem:$0x1E800] =	vst v63  }
0x37: {  	s7 =	simm.s32 $0x280;
	s0 =	simm.s32 $0x380  }
0x38: {  	[tilespmem:s24], [sflag:$0x2] =	stream.indirect.gather [hbm4b:s1+s22], $0x80, s22, s22, $0xb8;
	[tilespmem:$0x1E800] =	vst v63  }
.LBB2_2:
0x39: {  	_ =	swait.ge [sflag:s25], $0x4000  }
0x3a: {  	[sflag:s25] =	ssyncset.done $0x0  }
0x3b: {  	p0 =	seq.s32 s0, $0x2980;
	[sflag:s25] =	ssyncadd.s32 $0xFFFFC000  }
0x3c: {  	s9 =	sadd.s32 @!p0 $0xFFFFFE80, s0;
	_ =	swait.ge [sflag:s26], $0x80  }
0x3d: {  	s11 =	sand.u32 @!p0 $0x7C00, s9;
	[sflag:s26] =	ssyncset.done $0x0  }
0x3e: {  	s9 =	sand.u32 @!p0 $0x200, s9;
	s11 =	sadd.s32 @!p0 s4, s11;
	[sflag:s26] =	ssyncadd.s32 $0xFFFFFF80  }
0x3f: {  	[spmem:s3] =	stream.indirect.scatter.add.f32 [tilespmem:s23], [sflag:$0x7], $0x80, s18, s22, $0xb8;
	[tilespmem:$0x1E800] =	vst v63  }
0x40: {  	s9 =	sor.u32 @!p0 s9, s11;
	_ =	swait.ge [sflag:s17], $0x4000  }
0x41: {  	s12 =	simm.s32 @!p0 $0x2800;
	s9 =	sshrl.u32 @!p0 s9, $0x3;
	[sflag:s17] =	ssyncset.done $0x0  }
0x42: {  	s11 =	simm.s32 @!p0 $0x0;
	s9 =	sadd.s32 @!p0 s6, s9;
	[sflag:s17] =	ssyncadd.s32 $0xFFFFC000  }
0x43: {  	[tilespmem:s12], [sflag:$0x3] =	stream.linear.gather @!p0 [hbm4b:s9+s11], $0x80, $0x38;
	[tilespmem:$0x1E800] =	vst v63  }
0x44: {  	s12 =	sadd.s32 $0xFFFFFE80, s7  }
0x45: {  	[tilespmem:s23], [sflag:$0x1] =	stream.indirect.gather [hbm4b:s1+s22], $0x80, s12, s22, $0xb8;
	[tilespmem:$0x1E800] =	vst v63  }
0x46: {  	_ =	swait.ge [sflag:s28], $0x4000  }
0x47: {  	[sflag:s28] =	ssyncset.done $0x0  }
0x48: {  	[sflag:s28] =	ssyncadd.s32 $0xFFFFC000  }
0x49: {  	s9 =	sadd.s32 @!p0 $0xFFFFFF00, s0;
	_ =	swait.ge [sflag:s29], $0x80  }
0x4a: {  	s12 =	sand.u32 @!p0 $0x7C00, s9;
	[sflag:s29] =	ssyncset.done $0x0  }
0x4b: {  	s9 =	sand.u32 @!p0 $0x280, s9;
	s12 =	sadd.s32 @!p0 s4, s12;
	[sflag:s29] =	ssyncadd.s32 $0xFFFFFF80  }
0x4c: {  	[spmem:s3] =	stream.indirect.scatter.add.f32 [tilespmem:s24], [sflag:$0x7], $0x80, s19, s22, $0xb8;
	[tilespmem:$0x1E800] =	vst v63  }
0x4d: {  	s9 =	sor.u32 @!p0 s9, s12;
	_ =	swait.ge [sflag:s17], $0x4000  }
0x4e: {  	s9 =	sshrl.u32 @!p0 s9, $0x3;
	[sflag:s17] =	ssyncset.done $0x0  }
0x4f: {  	s12 =	simm.s32 @!p0 $0x2880;
	s9 =	sadd.s32 @!p0 s6, s9;
	[sflag:s17] =	ssyncadd.s32 $0xFFFFC000  }
0x50: {  	[tilespmem:s12], [sflag:$0x4] =	stream.linear.gather @!p0 [hbm4b:s9+s11], $0x80, $0x38;
	[tilespmem:$0x1E800] =	vst v63  }
0x51: {  	s12 =	sadd.s32 $0xFFFFFF00, s7  }
0x52: {  	[tilespmem:s24], [sflag:$0x2] =	stream.indirect.gather [hbm4b:s1+s22], $0x80, s12, s22, $0xb8;
	[tilespmem:$0x1E800] =	vst v63  }
0x53: {  	_ =	swait.ge [sflag:s25], $0x4000  }
0x54: {  	[sflag:s25] =	ssyncset.done $0x0  }
0x55: {  	[sflag:s25] =	ssyncadd.s32 $0xFFFFC000  }
0x56: {  	_ =	swait.ge [sflag:s30], $0x80  }
0x57: {  	[sflag:s30] =	ssyncset.done $0x0  }
.Ltmp2:
0x58: {  	[sflag:s30] =	ssyncadd.s32 $0xFFFFFF80;
	(pc) =	sbr.rel @p0 .LBB2_4-.Ltmp2, $4  }
0x59: {  	[spmem:s3] =	stream.indirect.scatter.add.f32 [tilespmem:s23], [sflag:$0x7], $0x80, s20, s22, $0xb8;
	[tilespmem:$0x1E800] =	vst v63  }
0x5a: {  	_ =	swait.ge [sflag:s17], $0x4000  }
0x5b: {  	[sflag:s17] =	ssyncset.done $0x0  }
0x5c: {  	[sflag:s17] =	ssyncadd.s32 $0xFFFFC000  }
0x5d: {  	s9 =	sadd.s32 $0xFFFFFF80, s0  }
0x5e: {  	s11 =	sand.u32 $0x7C00, s9  }
0x5f: {  	s9 =	sand.u32 $0x300, s9;
	s11 =	sadd.s32 s4, s11  }
0x60: {  	s9 =	sor.u32 s9, s11  }
0x61: {  	s9 =	sshrl.u32 s9, $0x3  }
0x62: {  	s9 =	sadd.s32 s6, s9  }
0x63: {  	[tilespmem:s20], [sflag:$0x5] =	stream.linear.gather [hbm4b:s9+s5], $0x80, $0x38;
	[tilespmem:$0x1E800] =	vst v63  }
0x64: {  	s12 =	sadd.s32 $0xFFFFFF80, s7  }
0x65: {  	[tilespmem:s23], [sflag:$0x1] =	stream.indirect.gather [hbm4b:s1+s22], $0x80, s12, s22, $0xb8;
	[tilespmem:$0x1E800] =	vst v63  }
0x66: {  	_ =	swait.ge [sflag:s28], $0x4000  }
0x67: {  	[sflag:s28] =	ssyncset.done $0x0  }
0x68: {  	[sflag:s28] =	ssyncadd.s32 $0xFFFFC000  }
0x69: {  	_ =	swait.ge [sflag:s31], $0x80  }
0x6a: {  	s11 =	sand.u32 $0x7C00, s0;
	[sflag:s31] =	ssyncset.done $0x0  }
0x6b: {  	s9 =	sadd.s32 s4, s11;
	s12 =	sand.u32 $0x380, s0;
	[sflag:s31] =	ssyncadd.s32 $0xFFFFFF80  }
0x6c: {  	[spmem:s3] =	stream.indirect.scatter.add.f32 [tilespmem:s24], [sflag:$0x7], $0x80, s21, s22, $0xb8;
	[tilespmem:$0x1E800] =	vst v63  }
0x6d: {  	s9 =	sor.u32 s12, s9;
	_ =	swait.ge [sflag:s17], $0x4000  }
0x6e: {  	s9 =	sshrl.u32 s9, $0x3;
	[sflag:s17] =	ssyncset.done $0x0  }
.Ltmp3:
0x6f: {  	s9 =	sadd.s32 s6, s9;
	[sflag:s17] =	ssyncadd.s32 $0xFFFFC000;
	(pc) =	sbr.rel .LBB2_2-.Ltmp3, $4  }
0x70: {  	[tilespmem:s21], [sflag:$0x6] =	stream.linear.gather [hbm4b:s9+s5], $0x80, $0x38;
	[tilespmem:$0x1E800] =	vst v63  }
0x71: {  	_ = 	snop  }
0x72: {  	[tilespmem:s24], [sflag:$0x2] =	stream.indirect.gather [hbm4b:s1+s22], $0x80, s7, s22, $0xb8;
	[tilespmem:$0x1E800] =	vst v63  }
0x73: {  	s0 =	sadd.s32 $0x200, s0;
	s7 =	sadd.s32 $0x200, s7  }
.LBB2_5:
0x74: {  	_ =	sfence.sel $0x180000  }
0x75: {  	[bflag:$0x0] =	sbarrier.arrive $0xFFFF  }
0x76: {  	_ =	strace $0x9000004A  }
0x77: {  	s0 =	stileid.u32;
	[bflag:$0x2] =	sbarrier.arrive $0xFFFF  }
0x78: {  	p0 =	sne.s32 s0, $0x0;
	s0 =	rddreg [dreg:$0x3]  }
0x79: {  	s0 =	sadd.s32 @!p0 $0x100000, s0  }
0x7a: {  	[sflag:s0] =	ssyncadd.tile.s32 @!p0 $0x1;
	_ =	shalt  }
.Lfunc_end2:
_tile_overlayer_lowered:
.L_overlay_start_2:
0x7b: {  	(tag) =	ssettag $0x2  }
0x7c: {  	s0 =	rddreg [dreg:$0x0];
	s2 =	stileid.u32  }
0x7d: {  	s1 =	rddreg [dreg:$0x1];
	p0 =	sne.s32 s2, $0x0  }
0x7e: {  	s3 =	rddreg [dreg:$0x2];
	[bflag:$0x3] =	sbarrier.arrive $0xFFFF;
	s2 =	simm.s32 @!p0 $0x1C07  }
0x7f: {  	[timem:s3], [sflag:s2] =	dma.local @!p0 [hbm:s0], s1  }
0x80: {  	s0 =	simm.s32 @!p0 $0x7  }
0x81: {  	_ =	swait.ge @!p0 [sflag:s0], s1  }
0x82: {  	s1 =	ssub.s32 @!p0 $0x0, s1;
	[sflag:s0] =	ssyncset.done @!p0 $0x0  }
0x83: {  	[sflag:s0] =	ssyncadd.s32 @!p0 s1  }
0x84: {  	[bflag:$0x3] =	sbarrier.arrive $0xFFFF  }
0x85: {  	_ =	shalt  }

// kernel: kernel.7.cloned.1.call-start
scs
__scs_entry_jumppad:
0x0: {  	(pc) =	sbr.rel $0x88, $3  }
0x1: {  	(tag) =	ssettag $0x0;
	lr =	simm.s32 $0x1  }
0x2: {  	[smem:$0x3F97] =	sst lr;
	_ =	strace $0xD0000000  }
0x3: {  	_ = 	snop  }
0x4: {  	_ = 	snop  }
0x5: {  	_ = 	snop  }
0x6: {  	_ = 	snop  }
0x7: {  	_ = 	snop  }
__scs_overlays_trampoline_lowered:
0x8: {  	[smem:$0x3FA6] =	sst s0  }
0x9: {  	[smem:$0x3FA7] =	sst s1  }
0xa: {  	[smem:$0x3FA8] =	sst s2  }
0xb: {  	[smem:$0x3FA9] =	sst s3  }
0xc: {  	[smem:$0x3FAA] =	sst s4  }
0xd: {  	[smem:$0x3FAB] =	sst s5  }
0xe: {  	[smem:$0x3FAC] =	sst s6  }
0xf: {  	[smem:$0x3FAD] =	sst s7  }
0x10: {  	[smem:$0x3FAE] =	sst s8  }
0x11: {  	[smem:$0x3FAF] =	sst s9;
	s0 =	simm.s32 @!p0 $0x0  }
0x12: {  	s1 =	sld [smem:$0x3F95];
	s0 =	simm.s32 @p0 $0x1  }
0x13: {  	[smem:$0x3FB0] =	sst s0;
	s0 =	simm.s32 @!p1 $0x0  }
0x14: {  	s2 =	sld [smem:$0x3F94];
	s0 =	simm.s32 @p1 $0x1  }
0x15: {  	[smem:$0x3FB1] =	sst s0;
	s0 =	simm.s32 @!p2 $0x0  }
0x16: {  	s3 =	sld [smem:$0x3FDB];
	s0 =	simm.s32 @p2 $0x1  }
0x17: {  	s4 =	simm.s32 $0x1BF5;
	[smem:$0x3FB3] =	sst s0  }
0x18: {  	s0 =	sld [smem:$0x3F96];
	_ =	swait.ge [sflag:s4], $0x0  }
0x19: {  	s7 =	sld [smem:$0x3F97]  }
0x1a: {  	s8 =	sadd.s32 $0xFFFFE003, lr  }
0x1b: {  	s9 =	sadd.s32 $0xFFFFFEF7, lr;
	s5 =	simm.s32 $0xFFFFFFFF;
	p2 =	slt.u32 s8, $0xFFFFF086  }
0x1c: {  	p1 =	slt.u32 s9, $0xF7A;
	s5 =	simm.s32 @!p2 $0x0  }
0x1d: {  	s5 =	simm.s32 @p1 $0x1;
	p0 =	seq.s32 s7, s2  }
0x1e: {  	s7 =	smul.u32 @!p0 $0xF7A, s2;
	p2 =	seq.s32 @!p0 s5, $0x0  }
0x1f: {  	s9 =	smul.u32 $0xF7A, s1;
	s8 =	simm.s32 @!p0 $0x1BF5;
	p2 =	por !p2, p0  }
0x20: {  	[sflag:s8] =	ssyncset.s32 @!p0 $0xFFFFF086;
	s6 =	sadd.s32 @!p0 s3, s7;
	s7 =	simm.s32 @!p0 $0x108  }
0x21: {  	s3 =	sadd.s32 s3, s9;
	s6 =	sadd.s32 @!p0 $0x88, s6;
	s7 =	simm.s32 @p2 $0x1082  }
0x22: {  	[simem:s7], [sflag:s8] =	dma.local @!p0 [hbm:s6], $0xF7A  }
0x23: {  	s9 =	sor.u32 $0xD0000000, s2;
	s6 =	simm.s32 $0x108;
	_ =	swait.ge @!p0 [sflag:s8], $0x0  }
0x24: {  	s3 =	sadd.s32 $0x88, s3;
	s6 =	simm.s32 @!p1 $0x1082;
	[sflag:s4] =	ssyncset.s32 $0xFFFFF086  }
0x25: {  	[simem:s6], [sflag:s4] =	dma.local [hbm:s3], $0xF7A  }
0x26: {  	[smem:$0x3F97] =	sst s1;
	(tag) =	ssettag s2;
	_ =	strace s9  }
0x27: {  	s1 =	sld [smem:$0x3FA7]  }
0x28: {  	s2 =	sld [smem:$0x3FA8]  }
0x29: {  	s4 =	sld [smem:$0x3FAA]  }
0x2a: {  	p0 =	seq.s32 s5, $0x0;
	s5 =	sld [smem:$0x3FAB]  }
0x2b: {  	s6 =	sld [smem:$0x3FAC]  }
0x2c: {  	s7 =	sld [smem:$0x3FAD]  }
0x2d: {  	s3 =	simm.s32 $0x108;
	s8 =	sld [smem:$0x3FAE]  }
0x2e: {  	s3 =	simm.s32 @!p0 $0x1082;
	s9 =	sld [smem:$0x3FAF]  }
0x2f: {  	lr =	sadd.s32 s0, s3;
	s0 =	sld [smem:$0x3FA6]  }
0x30: {  	s3 =	sld [smem:$0x3FA9]  }
0x31: {  	[smem:$0x3FB2] =	sst s10  }
0x32: {  	s10 =	sld [smem:$0x3FB0];
	_ =	sdelay $0x3  }
0x33: {  	p0 =	seq.s32 s10, $0x1;
	s10 =	sld [smem:$0x3FB2];
	_ =	sdelay $0x3  }
0x34: {  	[smem:$0x3FB2] =	sst s10  }
0x35: {  	s10 =	sld [smem:$0x3FB1];
	_ =	sdelay $0x3  }
0x36: {  	p1 =	seq.s32 s10, $0x1;
	s10 =	sld [smem:$0x3FB2];
	_ =	sdelay $0x3  }
0x37: {  	[smem:$0x3FB2] =	sst s10  }
0x38: {  	s10 =	sld [smem:$0x3FB3]  }
0x39: {  	_ = 	snop;
	(pc) =	sbr.ind lr, $3  }
0x3a: {  	_ = 	snop  }
0x3b: {  	_ = 	snop  }
0x3c: {  	p2 =	seq.s32 s10, $0x1;
	s10 =	sld [smem:$0x3FB2]  }
0x3d: {  	_ =	shalt  }
0x3e: {  	_ =	shalt  }
0x3f: {  	_ =	shalt  }
0x40: {  	_ =	shalt  }
0x41: {  	_ =	shalt  }
0x42: {  	_ =	shalt  }
0x43: {  	_ =	shalt  }
0x44: {  	_ =	shalt  }
0x45: {  	_ =	shalt  }
0x46: {  	_ =	shalt  }
0x47: {  	_ =	shalt  }
0x48: {  	_ =	shalt  }
0x49: {  	_ =	shalt  }
0x4a: {  	_ =	shalt  }
0x4b: {  	_ =	shalt  }
0x4c: {  	_ =	shalt  }
0x4d: {  	_ =	shalt  }
0x4e: {  	_ =	shalt  }
0x4f: {  	_ =	shalt  }
0x50: {  	_ =	shalt  }
0x51: {  	_ =	shalt  }
0x52: {  	_ =	shalt  }
0x53: {  	_ =	shalt  }
0x54: {  	_ =	shalt  }
0x55: {  	_ =	shalt  }
0x56: {  	_ =	shalt  }
0x57: {  	_ =	shalt  }
0x58: {  	_ =	shalt  }
0x59: {  	_ =	shalt  }
0x5a: {  	_ =	shalt  }
0x5b: {  	_ =	shalt  }
0x5c: {  	_ =	shalt  }
0x5d: {  	_ =	shalt  }
0x5e: {  	_ =	shalt  }
0x5f: {  	_ =	shalt  }
0x60: {  	_ =	shalt  }
0x61: {  	_ =	shalt  }
0x62: {  	_ =	shalt  }
0x63: {  	_ =	shalt  }
0x64: {  	_ =	shalt  }
0x65: {  	_ =	shalt  }
0x66: {  	_ =	shalt  }
0x67: {  	_ =	shalt  }
0x68: {  	_ =	shalt  }
0x69: {  	_ =	shalt  }
0x6a: {  	_ =	shalt  }
0x6b: {  	_ =	shalt  }
0x6c: {  	_ =	shalt  }
0x6d: {  	_ =	shalt  }
0x6e: {  	_ =	shalt  }
0x6f: {  	_ =	shalt  }
0x70: {  	_ =	shalt  }
0x71: {  	_ =	shalt  }
0x72: {  	_ =	shalt  }
0x73: {  	_ =	shalt  }
0x74: {  	_ =	shalt  }
0x75: {  	_ =	shalt  }
0x76: {  	_ =	shalt  }
0x77: {  	_ =	shalt  }
0x78: {  	_ =	shalt  }
0x79: {  	_ =	shalt  }
0x7a: {  	_ =	shalt  }
0x7b: {  	_ =	shalt  }
0x7c: {  	_ =	shalt  }
0x7d: {  	_ =	shalt  }
0x7e: {  	_ =	shalt  }
0x7f: {  	_ =	shalt  }
0x80: {  	_ =	shalt  }
0x81: {  	_ =	shalt  }
0x82: {  	_ =	shalt  }
0x83: {  	_ =	shalt  }
0x84: {  	_ =	shalt  }
0x85: {  	_ =	shalt  }
0x86: {  	_ =	shalt  }
0x87: {  	_ =	shalt  }
.Lfunc_end0:
.L_simem_size_0:
called_computation_lowered:
.L_overlay_start_0:
0x88: {  	s2 =	sld [smem:$0x3FD9]  }
0x89: {  	s3 =	sld [smem:$0x3FFE];
	_ =	sdelay $0x1  }
0x8a: {  	s1 =	srdreg.scid  }
0x8b: {  	s0 =	sand.u32 $0x1, s1  }
0x8c: {  	s17 =	sshll.u32 s0, $0xA;
	s2 =	sadd.s32 s3, s2  }
0x8d: {  	s2 =	sadd.s32 s2, s17  }
0x8e: {  	[smem:$0x3FBE] =	sst s2  }
0x8f: {  	_ = 	snop  }
0x90: {  	s2 =	sld [smem:$0x3FD0];
	(tm) =	ssettm $0x1  }
0x91: {  	s18 =	sld [smem:$0x3FFB];
	_ =	sdelay $0x3  }
0x92: {  	_ =	strace s18  }
0x93: {  	s3 =	sld [smem:$0x3FFC];
	_ =	sdelay $0x3  }
0x94: {  	_ =	strace s3  }
0x95: {  	s3 =	sld [smem:$0x3FFD];
	_ =	sdelay $0x3  }
0x96: {  	_ =	strace s3  }
0x97: {  	_ =	strace $0x8FFFFFFF  }
0x98: {  	s19 =	sld [smem:$0x3FDB];
	_ =	sdelay $0x1  }
0x99: {  	s4 =	simm.s32 $_scs_section_size  }
0x9a: {  	s5 =	simm.s32 $_size__tile_overlayer_lowered;
	s6 =	simm.s32 $_tile_overlayer_lowered  }
0x9b: {  	s22 =	simm.s32 $0x1BFF;
	s21 =	sshll.u32 s6, $0x1;
	s3 =	sadd.s32 s4, s19  }
0x9c: {  	s7 =	simm.s32 $0x0;
	s20 =	sshll.u32 s5, $0x1;
	s5 =	sadd.s32 s21, s3  }
0x9d: {  	[timem:s7], [sflag:s22] =	dma.local [hbm:s5], s20  }
0x9e: {  	_ =	swait.ge [sflag:s22], s20  }
0x9f: {  	s4 =	ssub.s32 $0x0, s20;
	[sflag:s22] =	ssyncset.done $0x0  }
0xa0: {  	[sflag:s22] =	ssyncadd.s32 s4;
	_ =	sdelay $0x1  }
0xa1: {  	s23 =	simm.s32 $0x1B8B  }
0xa2: {  	_ =	swait.ge [sflag:s23], $0x1  }
0xa3: {  	[sflag:s23] =	ssyncset.done $0x0  }
0xa4: {  	s25 =	simm.s32 $0x1B8E;
	s24 =	sld [smem:$0x3FFE];
	[sflag:s23] =	ssyncadd.s32 $0xFFFFFFFF  }
0xa5: {  	s26 =	simm.s32 $execute0_lowered;
	[smem:$0x3FD2] =	sst s25  }
0xa6: {  	s5 =	sshll.u32 s26, $0x1;
	_ =	strace $0x80000046;
	[dreg:$0x1] =	wrdreg $0xFFFFFFFF  }
0xa7: {  	s28 =	simm.s32 $_size_execute0_lowered;
	s3 =	sadd.s32 s3, s5;
	[dreg:$0x0] =	wrdreg $0x0  }
0xa8: {  	s5 =	sshll.u32 s28, $0x1;
	[dreg:$0x2] =	wrdreg s3  }
0xa9: {  	[dreg:$0x3] =	wrdreg s5  }
0xaa: {  	[dreg:$0x4] =	wrdreg $0xC0  }
0xab: {  	_ =	task [dreg:s7], $0x5FFFF  }
0xac: {  	[dreg:$0x1] =	wrdreg $0xFFFFFFFF  }
0xad: {  	[dreg:$0x0] =	wrdreg $0x60  }
0xae: {  	[dreg:$0x2] =	wrdreg s2  }
0xaf: {  	[dreg:$0x3] =	wrdreg s24  }
0xb0: {  	[dreg:$0x4] =	wrdreg $0xAC000  }
0xb1: {  	[dreg:$0x5] =	wrdreg $0x9  }
0xb2: {  	_ =	task.clear_ibuf [dreg:s7], $0x6FFFF;
	_ =	strace $0x90000046  }
0xb3: {  	s29 =	simm.s32 $0x9;
	_ =	strace $0x80000048  }
0xb4: {  	_ =	swait.ge [sflag:s29], $0x1  }
0xb5: {  	[sflag:s29] =	ssyncadd.s32 $0xFFFFFFFF  }
0xb6: {  	_ =	strace $0x90000048  }
0xb7: {  	_ =	sfence  }
0xb8: {  	s30 =	sld [smem:$0x0];
	_ =	sdelay $0x2  }
0xb9: {  	s31 =	sshll.u32 s1, $0xD;
	s1 =	sshrl.u32 s1, $0x2  }
0xba: {  	s3 =	sand.u32 $0x4000, s31;
	s1 =	sadd.s32 s1, s30  }
0xbb: {  	s0 =	sor.u32 s3, s0;
	s1 =	sshll.u32 s1, $0x11  }
0xbc: {  	s0 =	sor.u32 s1, s0  }
0xbd: {  	s0 =	sadd.s32 $0x8F2B, s0  }
0xbe: {  	[sflag:s0] =	ssyncadd.remote.s32 $0x1  }
0xbf: {  	_ =	sfence.sel $0xFFFF  }
0xc0: {  	[dreg:$0x0] =	wrdreg $0xFFFFFFFF;
	(pc) =	sbr.abs _section_cstart, $3  }
0xc1: {  	[dreg:$0x1] =	wrdreg $0xFFFFFFFF  }
0xc2: {  	_ =	task.clear_ibuf [dreg:s7], $0x2FFFF;
	_ =	strace $0x9FFFFFFF  }
0xc3: {  	(tm) =	ssettm $0x7FFFFFFF  }
tec
execute0_lowered:
.L_overlay_start_1:
0x0: {  	(tag) =	ssettag $0x1  }
0x1: {  	s1 =	rddreg [dreg:$0x0]  }
0x2: {  	s0 =	srdreg.scid;
	s7 =	rddreg [dreg:$0x1]  }
0x3: {  	s11 =	stileid.u32;
	s3 =	rddreg [dreg:$0x2];
	s5 =	simm.s32 $0x0  }
0x4: {  	s17 =	simm.s32 $0x7;
	s18 =	simm.s32 $0x2800;
	s19 =	simm.s32 $0x2880  }
0x5: {  	s28 =	simm.s32 $0x2;
	s29 =	simm.s32 $0x4;
	s30 =	simm.s32 $0x5  }
0x6: {  	s31 =	simm.s32 $0x6;
	s0 =	sand.u32 $0x1, s0;
	s2 =	sshll.u32 s11, $0x1  }
0x7: {  	[smem:$0x7FF] =	sst s5;
	s8 =	smul.u32 $0x13C00, s11;
	s6 =	sadd.s32 $0x2A00, s7  }
0x8: {  	s21 =	smul.u32 $0x4F000, s11;
	s12 =	sadd.s32 $0x16A00, s7;
	s24 =	sshll.u32 s11, $0x6  }
0x9: {  	s2 =	sor.u32 s0, s2;
	s20 =	smul.u32 $0x13C000, s0;
	_ =	strace $0x80000047  }
0xa: {  	[dreg:$0x4] =	wrdreg s12;
	s0 =	ssub.s32 $0x2, s0;
	s4 =	smul.u32 $0x2800, s2  }
0xb: {  	s22 =	sshrl.u32 s0, $0x1;
	s2 =	sadd.s32 s8, s20;
	s8 =	sshrl.u32 s21, $0x2  }
0xc: {  	s0 =	ssub.s32 s0, s22;
	s20 =	simm.s32 $0x2900;
	s21 =	simm.s32 $0x2980  }
0xd: {  	s22 =	simm.s32 $0x80;
	s10 =	sshrl.u32 s4, $0x3;
	s2 =	sshrl.u32 s2, $0x3  }
0xe: {  	s23 =	sadd.s32 s8, s3;
	s8 =	sor.u32 $0x1C07, s24;
	s15 =	smax.u32 s0, $0x1  }
0xf: {  	s24 =	simm.s32 $0x6C00;
	s9 =	sadd.s32 s10, s7;
	s2 =	sadd.s32 s2, s7  }
.Ltmp0:
0x10: {  	s10 =	sadd.s32 s6, s10;
	s16 =	sshrl.u32 s23, $0x3;
	(pc) =	sbr.rel .LBB2_1-.Ltmp0, $4  }
0x11: {  	s23 =	simm.s32 $0x2C00;
	s9 =	sadd.s32 $0xCA00, s9;
	s25 =	sadd.s32 $0x10, s10  }
0x12: {  	s26 =	sadd.s32 $0x20, s10;
	s13 =	sadd.s32 $0x30, s10;
	[dreg:$0x5] =	wrdreg s9  }
0x13: {  	s14 =	sadd.s32 $0x19200, s2;
	s2 =	simm.s32 $0x0;
	[dreg:$0x6] =	wrdreg s25  }
0x14: {  	[dreg:$0x7] =	wrdreg s26;
	s25 =	simm.s32 $0x1;
	s26 =	simm.s32 $0x3  }
.LBB2_4:
0x15: {  	_ =	swait.ge [sflag:s28], $0x4000  }
0x16: {  	[sflag:s28] =	ssyncset.done $0x0  }
0x17: {  	[sflag:s28] =	ssyncadd.s32 $0xFFFFC000  }
0x18: {  	_ =	swait.ge [sflag:s31], $0x80  }
0x19: {  	[sflag:s31] =	ssyncset.done $0x0  }
0x1a: {  	[sflag:s31] =	ssyncadd.s32 $0xFFFFFF80  }
0x1b: {  	[spmem:s3] =	stream.indirect.scatter.add.f32 [tilespmem:s24], [sflag:$0x7], $0x80, s21, s22, $0xb8;
	[tilespmem:$0x1E800] =	vst v63  }
0x1c: {  	_ =	swait.ge [sflag:s17], $0x4000  }
0x1d: {  	s2 =	sadd.s32 $0x1, s2;
	[sflag:s17] =	ssyncset.done $0x0  }
0x1e: {  	p0 =	sne.s32 s2, s15;
	[sflag:s17] =	ssyncadd.s32 $0xFFFFC000  }
.Ltmp1:
0x1f: {  	[bflag:$0x0] =	sbarrier.arrive $0xFFFF;
	(pc) =	sbr.rel @!p0 .LBB2_5-.Ltmp1, $4  }
0x20: {  	[hbm:s14], [sflag:s8] =	dma.local [spmem:s16], $0x2780  }
0x21: {  	_ =	swait.ge [sflag:s17], $0x2780  }
0x22: {  	[sflag:s17] =	ssyncset.done $0x0  }
0x23: {  	[sflag:s17] =	ssyncadd.s32 $0xFFFFD880  }
.LBB2_1:
0x24: {  	s0 =	rddreg [dreg:$0x4]  }
0x25: {  	[spmem:s16], [sflag:s8] =	dma.local [hbm:s0], $0x2780  }
0x26: {  	_ =	swait.ge [sflag:s17], $0x2780  }
0x27: {  	[sflag:s17] =	ssyncset.done $0x0  }
0x28: {  	s9 =	rddreg [dreg:$0x5];
	[sflag:s17] =	ssyncadd.s32 $0xFFFFD880  }
0x29: {  	[tilespmem:s5], [sflag:$0x7] =	stream.linear.gather [hbm4b:s9+s5], $0x2800, $0x38;
	[tilespmem:$0x1E800] =	vst v63  }
0x2a: {  	_ =	swait.ge [sflag:s17], $0x2800  }
0x2b: {  	[sflag:s17] =	ssyncset.done $0x0  }
0x2c: {  	[sflag:s17] =	ssyncadd.s32 $0xFFFFD800  }
0x2d: {  	[bflag:$0x0] =	sbarrier.arrive $0xFFFF  }
0x2e: {  	[tilespmem:s18], [sflag:$0x3] =	stream.linear.gather [hbm4b:s10+s5], $0x80, $0x38;
	[tilespmem:$0x1E800] =	vst v63  }
0x2f: {  	s11 =	rddreg [dreg:$0x6]  }
0x30: {  	[tilespmem:s19], [sflag:$0x4] =	stream.linear.gather [hbm4b:s11+s5], $0x80, $0x38;
	[tilespmem:$0x1E800] =	vst v63  }
0x31: {  	s12 =	rddreg [dreg:$0x7]  }
0x32: {  	[tilespmem:s20], [sflag:$0x5] =	stream.linear.gather [hbm4b:s12+s5], $0x80, $0x38;
	[tilespmem:$0x1E800] =	vst v63  }
0x33: {  	_ = 	snop  }
0x34: {  	[tilespmem:s21], [sflag:$0x6] =	stream.linear.gather [hbm4b:s13+s5], $0x80, $0x38;
	[tilespmem:$0x1E800] =	vst v63  }
0x35: {  	_ = 	snop  }
0x36: {  	[tilespmem:s23], [sflag:$0x1] =	stream.indirect.gather [hbm4b:s1+s22], $0x80, s5, s22, $0xb8;
	[tilespmem:$0x1E800] =	vst v63  }
0x37: {  	s7 =	simm.s32 $0x280;
	s0 =	simm.s32 $0x380  }
0x38: {  	[tilespmem:s24], [sflag:$0x2] =	stream.indirect.gather [hbm4b:s1+s22], $0x80, s22, s22, $0xb8;
	[tilespmem:$0x1E800] =	vst v63  }
.LBB2_2:
0x39: {  	_ =	swait.ge [sflag:s25], $0x4000  }
0x3a: {  	[sflag:s25] =	ssyncset.done $0x0  }
0x3b: {  	p0 =	seq.s32 s0, $0x2980;
	[sflag:s25] =	ssyncadd.s32 $0xFFFFC000  }
0x3c: {  	s9 =	sadd.s32 @!p0 $0xFFFFFE80, s0;
	_ =	swait.ge [sflag:s26], $0x80  }
0x3d: {  	s11 =	sand.u32 @!p0 $0x7C00, s9;
	[sflag:s26] =	ssyncset.done $0x0  }
0x3e: {  	s9 =	sand.u32 @!p0 $0x200, s9;
	s11 =	sadd.s32 @!p0 s4, s11;
	[sflag:s26] =	ssyncadd.s32 $0xFFFFFF80  }
0x3f: {  	[spmem:s3] =	stream.indirect.scatter.add.f32 [tilespmem:s23], [sflag:$0x7], $0x80, s18, s22, $0xb8;
	[tilespmem:$0x1E800] =	vst v63  }
0x40: {  	s9 =	sor.u32 @!p0 s9, s11;
	_ =	swait.ge [sflag:s17], $0x4000  }
0x41: {  	s12 =	simm.s32 @!p0 $0x2800;
	s9 =	sshrl.u32 @!p0 s9, $0x3;
	[sflag:s17] =	ssyncset.done $0x0  }
0x42: {  	s11 =	simm.s32 @!p0 $0x0;
	s9 =	sadd.s32 @!p0 s6, s9;
	[sflag:s17] =	ssyncadd.s32 $0xFFFFC000  }
0x43: {  	[tilespmem:s12], [sflag:$0x3] =	stream.linear.gather @!p0 [hbm4b:s9+s11], $0x80, $0x38;
	[tilespmem:$0x1E800] =	vst v63  }
0x44: {  	s12 =	sadd.s32 $0xFFFFFE80, s7  }
0x45: {  	[tilespmem:s23], [sflag:$0x1] =	stream.indirect.gather [hbm4b:s1+s22], $0x80, s12, s22, $0xb8;
	[tilespmem:$0x1E800] =	vst v63  }
0x46: {  	_ =	swait.ge [sflag:s28], $0x4000  }
0x47: {  	[sflag:s28] =	ssyncset.done $0x0  }
0x48: {  	[sflag:s28] =	ssyncadd.s32 $0xFFFFC000  }
0x49: {  	s9 =	sadd.s32 @!p0 $0xFFFFFF00, s0;
	_ =	swait.ge [sflag:s29], $0x80  }
0x4a: {  	s12 =	sand.u32 @!p0 $0x7C00, s9;
	[sflag:s29] =	ssyncset.done $0x0  }
0x4b: {  	s9 =	sand.u32 @!p0 $0x280, s9;
	s12 =	sadd.s32 @!p0 s4, s12;
	[sflag:s29] =	ssyncadd.s32 $0xFFFFFF80  }
0x4c: {  	[spmem:s3] =	stream.indirect.scatter.add.f32 [tilespmem:s24], [sflag:$0x7], $0x80, s19, s22, $0xb8;
	[tilespmem:$0x1E800] =	vst v63  }
0x4d: {  	s9 =	sor.u32 @!p0 s9, s12;
	_ =	swait.ge [sflag:s17], $0x4000  }
0x4e: {  	s9 =	sshrl.u32 @!p0 s9, $0x3;
	[sflag:s17] =	ssyncset.done $0x0  }
0x4f: {  	s12 =	simm.s32 @!p0 $0x2880;
	s9 =	sadd.s32 @!p0 s6, s9;
	[sflag:s17] =	ssyncadd.s32 $0xFFFFC000  }
0x50: {  	[tilespmem:s12], [sflag:$0x4] =	stream.linear.gather @!p0 [hbm4b:s9+s11], $0x80, $0x38;
	[tilespmem:$0x1E800] =	vst v63  }
0x51: {  	s12 =	sadd.s32 $0xFFFFFF00, s7  }
0x52: {  	[tilespmem:s24], [sflag:$0x2] =	stream.indirect.gather [hbm4b:s1+s22], $0x80, s12, s22, $0xb8;
	[tilespmem:$0x1E800] =	vst v63  }
0x53: {  	_ =	swait.ge [sflag:s25], $0x4000  }
0x54: {  	[sflag:s25] =	ssyncset.done $0x0  }
0x55: {  	[sflag:s25] =	ssyncadd.s32 $0xFFFFC000  }
0x56: {  	_ =	swait.ge [sflag:s30], $0x80  }
0x57: {  	[sflag:s30] =	ssyncset.done $0x0  }
.Ltmp2:
0x58: {  	[sflag:s30] =	ssyncadd.s32 $0xFFFFFF80;
	(pc) =	sbr.rel @p0 .LBB2_4-.Ltmp2, $4  }
0x59: {  	[spmem:s3] =	stream.indirect.scatter.add.f32 [tilespmem:s23], [sflag:$0x7], $0x80, s20, s22, $0xb8;
	[tilespmem:$0x1E800] =	vst v63  }
0x5a: {  	_ =	swait.ge [sflag:s17], $0x4000  }
0x5b: {  	[sflag:s17] =	ssyncset.done $0x0  }
0x5c: {  	[sflag:s17] =	ssyncadd.s32 $0xFFFFC000  }
0x5d: {  	s9 =	sadd.s32 $0xFFFFFF80, s0  }
0x5e: {  	s11 =	sand.u32 $0x7C00, s9  }
0x5f: {  	s9 =	sand.u32 $0x300, s9;
	s11 =	sadd.s32 s4, s11  }
0x60: {  	s9 =	sor.u32 s9, s11  }
0x61: {  	s9 =	sshrl.u32 s9, $0x3  }
0x62: {  	s9 =	sadd.s32 s6, s9  }
0x63: {  	[tilespmem:s20], [sflag:$0x5] =	stream.linear.gather [hbm4b:s9+s5], $0x80, $0x38;
	[tilespmem:$0x1E800] =	vst v63  }
0x64: {  	s12 =	sadd.s32 $0xFFFFFF80, s7  }
0x65: {  	[tilespmem:s23], [sflag:$0x1] =	stream.indirect.gather [hbm4b:s1+s22], $0x80, s12, s22, $0xb8;
	[tilespmem:$0x1E800] =	vst v63  }
0x66: {  	_ =	swait.ge [sflag:s28], $0x4000  }
0x67: {  	[sflag:s28] =	ssyncset.done $0x0  }
0x68: {  	[sflag:s28] =	ssyncadd.s32 $0xFFFFC000  }
0x69: {  	_ =	swait.ge [sflag:s31], $0x80  }
0x6a: {  	s11 =	sand.u32 $0x7C00, s0;
	[sflag:s31] =	ssyncset.done $0x0  }
0x6b: {  	s9 =	sadd.s32 s4, s11;
	s12 =	sand.u32 $0x380, s0;
	[sflag:s31] =	ssyncadd.s32 $0xFFFFFF80  }
0x6c: {  	[spmem:s3] =	stream.indirect.scatter.add.f32 [tilespmem:s24], [sflag:$0x7], $0x80, s21, s22, $0xb8;
	[tilespmem:$0x1E800] =	vst v63  }
0x6d: {  	s9 =	sor.u32 s12, s9;
	_ =	swait.ge [sflag:s17], $0x4000  }
0x6e: {  	s9 =	sshrl.u32 s9, $0x3;
	[sflag:s17] =	ssyncset.done $0x0  }
.Ltmp3:
0x6f: {  	s9 =	sadd.s32 s6, s9;
	[sflag:s17] =	ssyncadd.s32 $0xFFFFC000;
	(pc) =	sbr.rel .LBB2_2-.Ltmp3, $4  }
0x70: {  	[tilespmem:s21], [sflag:$0x6] =	stream.linear.gather [hbm4b:s9+s5], $0x80, $0x38;
	[tilespmem:$0x1E800] =	vst v63  }
0x71: {  	_ = 	snop  }
0x72: {  	[tilespmem:s24], [sflag:$0x2] =	stream.indirect.gather [hbm4b:s1+s22], $0x80, s7, s22, $0xb8;
	[tilespmem:$0x1E800] =	vst v63  }
0x73: {  	s0 =	sadd.s32 $0x200, s0;
	s7 =	sadd.s32 $0x200, s7  }
.LBB2_5:
0x74: {  	_ =	sfence.sel $0x180000  }
0x75: {  	[bflag:$0x0] =	sbarrier.arrive $0xFFFF  }
0x76: {  	_ =	strace $0x90000047  }
0x77: {  	s0 =	stileid.u32;
	[bflag:$0x2] =	sbarrier.arrive $0xFFFF  }
0x78: {  	p0 =	sne.s32 s0, $0x0;
	s0 =	rddreg [dreg:$0x3]  }
0x79: {  	s0 =	sadd.s32 @!p0 $0x100000, s0  }
0x7a: {  	[sflag:s0] =	ssyncadd.tile.s32 @!p0 $0x1;
	_ =	shalt  }
.Lfunc_end2:
_tile_overlayer_lowered:
.L_overlay_start_2:
0x7b: {  	(tag) =	ssettag $0x2  }
0x7c: {  	s0 =	rddreg [dreg:$0x0];
	s2 =	stileid.u32  }
0x7d: {  	s1 =	rddreg [dreg:$0x1];
	p0 =	sne.s32 s2, $0x0  }
0x7e: {  	s3 =	rddreg [dreg:$0x2];
	[bflag:$0x3] =	sbarrier.arrive $0xFFFF;
	s2 =	simm.s32 @!p0 $0x1C07  }
0x7f: {  	[timem:s3], [sflag:s2] =	dma.local @!p0 [hbm:s0], s1  }
0x80: {  	s0 =	simm.s32 @!p0 $0x7  }
0x81: {  	_ =	swait.ge @!p0 [sflag:s0], s1  }
0x82: {  	s1 =	ssub.s32 @!p0 $0x0, s1;
	[sflag:s0] =	ssyncset.done @!p0 $0x0  }
0x83: {  	[sflag:s0] =	ssyncadd.s32 @!p0 s1  }
0x84: {  	[bflag:$0x3] =	sbarrier.arrive $0xFFFF  }
0x85: {  	_ =	shalt  }

</sc_bundles>
